<compile_context>
chip_gen: v7x
topology: tpu7x:2x2x1
jax: 0.10.2.dev20260603
libtpu: 0.0.44.dev20260713+nightly
codegen_flags: <defaults>
</compile_context>

<pallas_src>
import jax
import jax.numpy as jnp
from jax import lax
from jax.experimental import pallas as pl
from jax.experimental.pallas import tpu as pltpu
from jax.experimental.pallas import tpu_sc as plsc

_B = 2
_H = _W = _D = 128
_NVOX = _B * _H * _W * _D
_NW = 32
_VT = _NVOX // _NW
_C = 2048
_NCH = _VT // _C
_G = _C // 16
_NS = _C // 128

_N4 = _NVOX // 4
_TROWS = _N4 // 16
_BCH = 32
_BROWS = _TROWS // _BCH
_BIN = 4 * _BROWS


def _sc_body(i4, flow, out, tbl, inb, outb, fbuf, ibuf, wbuf, mbuf, gbuf, obuf, gsem):
    cid = lax.axis_index("c")
    sid = lax.axis_index("s")
    wid = sid * 2 + cid
    vbase = wid * _VT

    iota = lax.iota(jnp.int32, 16)
    iota3 = iota * 3
    iota_f = iota.astype(jnp.float32)
    perm16 = 4 * (iota >> 3) + (iota & 7)
    row2 = iota >> 3
    col8 = iota & 7

    k0 = sid * _TROWS

    def bchunk(c, carry):
        ibase = 4 * k0 + c * _BIN
        ln = ibase >> 7
        bi = ln >> 14
        yi = (ln >> 7) & (_H - 1)
        xi = ln & (_W - 1)
        pltpu.sync_copy(i4.at[bi, yi, pl.ds(xi, _BIN // _D), :], inb.at[pl.ds(0, 64)])
        hoff = jnp.minimum(ibase + _BIN, _NVOX - 8)
        ln2 = hoff >> 7
        pltpu.sync_copy(
            i4.at[ln2 >> 14, (ln2 >> 7) & (_H - 1), ln2 & (_W - 1),
                  pl.ds(pl.multiple_of(hoff & (_D - 1), 8), 8)],
            inb.at[64, pl.ds(0, 8)],
        )

        def bg(g, c2):
            idx = g * 8 + perm16
            v = plsc.load_gather(inb, [idx >> 7, idx & 127])
            plsc.store_scatter(outb, [g * 2 + row2, col8], v)
            return c2

        lax.fori_loop(0, _BROWS // 2, bg, 0)
        pltpu.sync_copy(outb, tbl.at[cid, pl.ds(k0 + c * _BROWS, _BROWS)])
        return carry

    lax.fori_loop(0, _BCH, bchunk, 0)
    plsc.subcore_barrier()

    tblc = tbl.at[cid]

    def chunk(ch, carry):
        v0 = vbase + ch * _C
        pltpu.sync_copy(flow.at[pl.ds(v0 * 3, _C * 3)], fbuf)
        batch = v0 // (_H * _W * _D)
        bb = batch * (_H * _W * _D)
        yy = (v0 // (_W * _D)) % _H
        xb = (v0 // _D) % _W
        y_f = yy.astype(jnp.float32)

        def grp(g, c2):
            o = g * 16
            fo = o * 3
            dyv = plsc.load_gather(fbuf, [fo + iota3])
            dxv = plsc.load_gather(fbuf, [fo + iota3 + 1])
            dzv = plsc.load_gather(fbuf, [fo + iota3 + 2])
            x_f = (xb + g // 8).astype(jnp.float32)
            zb_f = ((g % 8) * 16).astype(jnp.float32)
            xn = dxv + x_f
            yn = dyv + y_f
            zn = dzv + (zb_f + iota_f)

            def ffloor(v):
                t = v.astype(jnp.int32)
                tf = t.astype(jnp.float32)
                i0 = jnp.where(tf > v, t - 1, t)
                return i0, v - i0.astype(jnp.float32)

            x0, fx = ffloor(xn)
            y0, fy = ffloor(yn)
            z0, fz = ffloor(zn)
            x0c = jnp.clip(x0, 0, _W - 1)
            x1c = jnp.clip(x0 + 1, 0, _W - 1)
            y0c = jnp.clip(y0, 0, _H - 1)
            y1c = jnp.clip(y0 + 1, 0, _H - 1)
            s = jnp.clip(z0, 0, _D - 2)
            edge = (z0 < 0) | (z0 >= _D - 1)
            fzc = jnp.where(edge, jnp.where(z0 >= _D - 1, 1.0, 0.0), fz)
            gx = 1.0 - fx
            gy = 1.0 - fy
            ry0 = y0c * (_W * _D) + (bb + s)
            ry1 = y1c * (_W * _D) + (bb + s)
            rx0 = x0c * _D
            rx1 = x1c * _D
            ghi = g // 8
            olo = (g % 8) * 16
            ibuf[0, ghi, pl.ds(olo, 16)] = (ry0 + rx0) >> 2
            ibuf[1, ghi, pl.ds(olo, 16)] = (ry0 + rx1) >> 2
            ibuf[2, ghi, pl.ds(olo, 16)] = (ry1 + rx0) >> 2
            ibuf[3, ghi, pl.ds(olo, 16)] = (ry1 + rx1) >> 2
            wbuf[0, pl.ds(o, 16)] = gx * gy
            wbuf[1, pl.ds(o, 16)] = fx * gy
            wbuf[2, pl.ds(o, 16)] = gx * fy
            wbuf[3, pl.ds(o, 16)] = fx * fy
            wbuf[4, pl.ds(o, 16)] = fzc
            mbuf[pl.ds(o, 16)] = s & 3
            return c2

        lax.fori_loop(0, _G, grp, 0)

        def fire(j, c2):
            cps = [
                pltpu.async_copy(
                    tblc.at[ibuf.at[c4, j]],
                    gbuf.at[c4, pl.ds(j * 128, 128)],
                    gsem,
                )
                for c4 in range(4)
            ]
            for cp in cps:
                cp.wait()
            return c2

        lax.fori_loop(0, _NS, fire, 0)

        def blend(g, c2):
            o = g * 16
            fzc = wbuf[4, pl.ds(o, 16)]
            m = mbuf[pl.ds(o, 16)]
            acc = iota_f * 0.0
            for c4 in range(4):
                vz0 = plsc.load_gather(gbuf.at[c4], [o + iota, m])
                vz1 = plsc.load_gather(gbuf.at[c4], [o + iota, m + 1])
                wc = wbuf[c4, pl.ds(o, 16)]
                acc = acc + wc * (vz0 + fzc * (vz1 - vz0))
            obuf[pl.ds(o, 16)] = acc
            return c2

        lax.fori_loop(0, _G, blend, 0)
        pltpu.sync_copy(obuf, out.at[pl.ds(v0, _C)])
        return carry

    lax.fori_loop(0, _NCH, chunk, 0)


def kernel(I, flow):
    i4 = I.reshape(_B, _H, _W, _D)
    flow_flat = flow.reshape(_NVOX * 3)

    mesh = plsc.VectorSubcoreMesh(
        core_axis_name="c", subcore_axis_name="s", num_cores=2, num_subcores=16
    )
    f = pl.kernel(
        _sc_body,
        out_type=jax.ShapeDtypeStruct((_NVOX,), jnp.float32),
        mesh=mesh,
        compiler_params=pltpu.CompilerParams(
            needs_layout_passes=False, use_tc_tiling_on_sc=False
        ),
        scratch_types=[
            pltpu.HBM((2, _N4, 8), jnp.float32),
            pltpu.VMEM((65, 128), jnp.float32),
            pltpu.VMEM((_BROWS, 8), jnp.float32),
            pltpu.VMEM((_C * 3,), jnp.float32),
            pltpu.VMEM((4, _NS, 128), jnp.int32),
            pltpu.VMEM((5, _C), jnp.float32),
            pltpu.VMEM((_C,), jnp.int32),
            pltpu.VMEM((4, _C, 8), jnp.float32),
            pltpu.VMEM((_C,), jnp.float32),
            pltpu.SemaphoreType.DMA,
        ],
    )
    outf = f(i4, flow_flat)
    return outf.reshape(_B, _H, _W, _D, 1)

# --- scband reference (transcript-rebuilt; emitter-appended) ---
"""Pipeline reference for scband-dense3-dspatial-transformer-8014408974511 (READ-ONLY COPY).

The authoritative reference and input builder live on the scoring server;
editing this copy changes nothing except your own understanding.
"""

import jax, jax.numpy as jnp
import numpy as np


def setup_inputs(seed: int = 0) -> dict:
    key = jax.random.key(seed)
    k1, k2 = jax.random.split(key)
    I = jax.random.normal(k1, (2, 128, 128, 128, 1), dtype=jnp.float32)
    flow = jax.random.normal(k2, (2, 128, 128, 128, 3), dtype=jnp.float32)
    return {"I": I, "flow": flow}


def _interpolate(im, x, y, z):
    num_batch, height, width, depth, channels = im.shape
    out_h, out_w, out_d = x.shape[1], x.shape[2], x.shape[3]
    x = x.reshape(-1)
    y = y.reshape(-1)
    z = z.reshape(-1)
    max_x = width - 1
    max_y = height - 1
    max_z = depth - 1
    x0 = jnp.floor(x).astype(jnp.int32)
    x1 = x0 + 1
    y0 = jnp.floor(y).astype(jnp.int32)
    y1 = y0 + 1
    z0 = jnp.floor(z).astype(jnp.int32)
    z1 = z0 + 1
    x0c = jnp.clip(x0, 0, max_x)
    x1c = jnp.clip(x1, 0, max_x)
    y0c = jnp.clip(y0, 0, max_y)
    y1c = jnp.clip(y1, 0, max_y)
    z0c = jnp.clip(z0, 0, max_z)
    z1c = jnp.clip(z1, 0, max_z)
    dim3 = depth
    dim2 = depth * width
    dim1 = depth * width * height
    base = jnp.repeat(jnp.arange(num_batch, dtype=jnp.int32) * dim1, out_h * out_w * out_d)
    base_y0 = base + y0c * dim2
    base_y1 = base + y1c * dim2
    idx_a = base_y0 + x0c * dim3 + z0c
    idx_b = base_y1 + x0c * dim3 + z0c
    idx_c = base_y0 + x1c * dim3 + z0c
    idx_d = base_y1 + x1c * dim3 + z0c
    idx_e = base_y0 + x0c * dim3 + z1c
    idx_f = base_y1 + x0c * dim3 + z1c
    idx_g = base_y0 + x1c * dim3 + z1c
    idx_h = base_y1 + x1c * dim3 + z1c
    im_flat = im.reshape(-1, channels).astype(jnp.float32)
    Ia = jnp.take(im_flat, idx_a, axis=0)
    Ib = jnp.take(im_flat, idx_b, axis=0)
    Ic = jnp.take(im_flat, idx_c, axis=0)
    Id = jnp.take(im_flat, idx_d, axis=0)
    Ie = jnp.take(im_flat, idx_e, axis=0)
    If = jnp.take(im_flat, idx_f, axis=0)
    Ig = jnp.take(im_flat, idx_g, axis=0)
    Ih = jnp.take(im_flat, idx_h, axis=0)
    x1_f = x1.astype(jnp.float32)
    y1_f = y1.astype(jnp.float32)
    z1_f = z1.astype(jnp.float32)
    dx = x1_f - x
    dy = y1_f - y
    dz = z1_f - z
    wa = (dz * dx * dy)[:, None]
    wb = (dz * dx * (1 - dy))[:, None]
    wc = (dz * (1 - dx) * dy)[:, None]
    wd = (dz * (1 - dx) * (1 - dy))[:, None]
    we = ((1 - dz) * dx * dy)[:, None]
    wf = ((1 - dz) * dx * (1 - dy))[:, None]
    wg = ((1 - dz) * (1 - dx) * dy)[:, None]
    wh = ((1 - dz) * (1 - dx) * (1 - dy))[:, None]
    output = (wa * Ia + wb * Ib + wc * Ic + wd * Id + we * Ie + wf * If + wg * Ig + wh * Ih)
    return output.reshape(num_batch, out_h, out_w, out_d, channels)


def reference(I, flow):
    # call(inputs) -> _transform(I, flow[...,1], flow[...,0], flow[...,2])
    dx = flow[:, :, :, :, 1]
    dy = flow[:, :, :, :, 0]
    dz = flow[:, :, :, :, 2]
    b, h, w, d = dx.shape
    x_mesh = jnp.broadcast_to(jnp.arange(w, dtype=jnp.float32)[None, :, None], (h, w, d))
    y_mesh = jnp.broadcast_to(jnp.arange(h, dtype=jnp.float32)[:, None, None], (h, w, d))
    z_mesh = jnp.broadcast_to(jnp.arange(d, dtype=jnp.float32)[None, None, :], (h, w, d))
    x_new = dx + x_mesh[None]
    y_new = dy + y_mesh[None]
    z_new = dz + z_mesh[None]
    return _interpolate(I, x_new, y_new, z_new)

if __name__ == "__main__":
    import jax
    _d = setup_inputs()
    print(jax.jit(kernel)(*tuple(_d.values())))

</pallas_src>

<mosaic_0001>
#map = affine_map<(d0, d1) -> (0, 0, 0, 0)>
#map1 = affine_map<(d0, d1) -> (0)>
module attributes {stable_mosaic.version = 14 : i64} {
  func.func @_sc_body(%arg0: i32, %arg1: i32, %arg2: memref<2x128x128x128xf32, #tpu.memory_space<hbm>>, %arg3: memref<12582912xf32, #tpu.memory_space<hbm>>, %arg4: memref<4194304xf32, #tpu.memory_space<hbm>>, %arg5: memref<2x1048576x8xf32, #tpu.memory_space<hbm>>, %arg6: memref<65x128xf32, #tpu.memory_space<vmem>>, %arg7: memref<2048x8xf32, #tpu.memory_space<vmem>>, %arg8: memref<6144xf32, #tpu.memory_space<vmem>>, %arg9: memref<4x16x128xi32, #tpu.memory_space<vmem>>, %arg10: memref<5x2048xf32, #tpu.memory_space<vmem>>, %arg11: memref<2048xi32, #tpu.memory_space<vmem>>, %arg12: memref<4x2048x8xf32, #tpu.memory_space<vmem>>, %arg13: memref<2048xf32, #tpu.memory_space<vmem>>, %arg14: memref<!tpu.dma_semaphore, #tpu.memory_space<semaphore_mem>>) attributes {dimension_semantics = [#tpu.dimension_semantics<core_parallel>, #tpu.dimension_semantics<subcore_parallel>], iteration_bounds = array<i64: 2, 16>, scalar_prefetch = 0 : i64, scratch_operands = 10 : i64, tpu.core_type = #tpu.core_type<sc_vector_subcore>, window_params = [{transform_indices = #map}, {transform_indices = #map1}, {transform_indices = #map1}]} {
    %mul3A = arith.constant 2 : i32
    %mul3A_0 = arith.muli %arg1, %mul3A : i32
    %add3A = arith.addi %mul3A_0, %arg0 : i32
    %mul3A_1 = arith.constant 131072 : i32
    %mul3A_2 = arith.muli %add3A, %mul3A_1 : i32
    %iota3A = tpu.iota {dimensions = array<i32: 0>} : vector<16xi32>
    %mul3A_3 = arith.constant 3 : i32
    %mul3A_4 = vector.broadcast %mul3A_3 : i32 to vector<16xi32>
    %mul3A_5 = arith.muli %iota3A, %mul3A_4 : vector<16xi32>
    %convert_element_type3A = arith.sitofp %iota3A : vector<16xi32> to vector<16xf32>
    %shift_right_arithmetic3A = arith.constant 3 : i32
    %shift_right_arithmetic3A_6 = vector.broadcast %shift_right_arithmetic3A : i32 to vector<16xi32>
    %shift_right_arithmetic3A_7 = arith.shrsi %iota3A, %shift_right_arithmetic3A_6 : vector<16xi32>
    %mul3A_8 = arith.constant 4 : i32
    %mul3A_9 = vector.broadcast %mul3A_8 : i32 to vector<16xi32>
    %mul3A_10 = arith.muli %mul3A_9, %shift_right_arithmetic3A_7 : vector<16xi32>
    %and3A = arith.constant 7 : i32
    %and3A_11 = vector.broadcast %and3A : i32 to vector<16xi32>
    %and3A_12 = arith.andi %iota3A, %and3A_11 : vector<16xi32>
    %add3A_13 = arith.addi %mul3A_10, %and3A_12 : vector<16xi32>
    %shift_right_arithmetic3A_14 = arith.constant 3 : i32
    %shift_right_arithmetic3A_15 = vector.broadcast %shift_right_arithmetic3A_14 : i32 to vector<16xi32>
    %shift_right_arithmetic3A_16 = arith.shrsi %iota3A, %shift_right_arithmetic3A_15 : vector<16xi32>
    %and3A_17 = arith.constant 7 : i32
    %and3A_18 = vector.broadcast %and3A_17 : i32 to vector<16xi32>
    %and3A_19 = arith.andi %iota3A, %and3A_18 : vector<16xi32>
    %mul3A_20 = arith.constant 65536 : i32
    %mul3A_21 = arith.muli %arg1, %mul3A_20 : i32
    %scan3A = arith.constant 0 : i32
    %scan3A_22 = arith.constant 0 : i32
    %scan3A_23 = arith.constant 32 : i32
    %scan3A_24 = arith.addi %scan3A_22, %scan3A_23 : i32
    %scan3A_25 = arith.constant 1 : i32
    scf.for %scan3A_33 = %scan3A_22 to %scan3A_24 step %scan3A_25  : i32 {
      %mul3A_34 = arith.constant 4 : i32
      %mul3A_35 = arith.muli %mul3A_34, %mul3A_21 : i32
      %mul3A_36 = arith.constant 8192 : i32
      %mul3A_37 = arith.muli %scan3A_33, %mul3A_36 : i32
      %add3A_38 = arith.addi %mul3A_35, %mul3A_37 : i32
      %shift_right_arithmetic3A_39 = arith.constant 7 : i32
      %shift_right_arithmetic3A_40 = arith.shrsi %add3A_38, %shift_right_arithmetic3A_39 : i32
      %shift_right_arithmetic3A_41 = arith.constant 14 : i32
      %shift_right_arithmetic3A_42 = arith.shrsi %shift_right_arithmetic3A_40, %shift_right_arithmetic3A_41 : i32
      %shift_right_arithmetic3A_43 = arith.constant 7 : i32
      %shift_right_arithmetic3A_44 = arith.shrsi %shift_right_arithmetic3A_40, %shift_right_arithmetic3A_43 : i32
      %and3A_45 = arith.constant 127 : i32
      %and3A_46 = arith.andi %shift_right_arithmetic3A_44, %and3A_45 : i32
      %and3A_47 = arith.constant 127 : i32
      %and3A_48 = arith.andi %shift_right_arithmetic3A_40, %and3A_47 : i32
      "tpu.region"() ({
        %run_scoped3A_73 = tpu.sem_alloc : memref<!tpu.dma_semaphore, #tpu.memory_space<semaphore_mem>>
        %dma_start3A = arith.constant 0 : i32
        %dma_start3A_74 = arith.constant 0 : i32
        %dma_start3A_75 = tpu.memref_slice %arg6[%dma_start3A, %dma_start3A_74] : memref<65x128xf32, #tpu.memory_space<vmem>> -> memref<64x128xf32, #tpu.memory_space<vmem>>
        %dma_start3A_76 = arith.constant 0 : i32
        %dma_start3A_77 = tpu.memref_slice %arg2[%shift_right_arithmetic3A_42, %and3A_46, %and3A_48, %dma_start3A_76] : memref<2x128x128x128xf32, #tpu.memory_space<hbm>> -> memref<1x1x64x128xf32, #tpu.memory_space<hbm>>
        %dma_start3A_78 = tpu.memref_squeeze %dma_start3A_77 : memref<1x1x64x128xf32, #tpu.memory_space<hbm>> -> memref<64x128xf32, #tpu.memory_space<hbm>>
        %dma_start3A_79 = arith.constant 0 : i32
        %dma_start3A_80 = arith.constant 0 : i32
        %dma_start3A_81 = tpu.memref_slice %arg6[%dma_start3A_79, %dma_start3A_80] : memref<65x128xf32, #tpu.memory_space<vmem>> -> memref<64x128xf32, #tpu.memory_space<vmem>>
        %dma_start3A_82 = arith.constant 0 : i32
        %dma_start3A_83 = tpu.memref_slice %arg2[%shift_right_arithmetic3A_42, %and3A_46, %and3A_48, %dma_start3A_82] : memref<2x128x128x128xf32, #tpu.memory_space<hbm>> -> memref<1x1x64x128xf32, #tpu.memory_space<hbm>>
        %dma_start3A_84 = tpu.memref_squeeze %dma_start3A_83 : memref<1x1x64x128xf32, #tpu.memory_space<hbm>> -> memref<64x128xf32, #tpu.memory_space<hbm>>
        tpu.enqueue_dma source(%dma_start3A_84 : memref<64x128xf32, #tpu.memory_space<hbm>>) target(%dma_start3A_81 : memref<64x128xf32, #tpu.memory_space<vmem>>) target_semaphore(%run_scoped3A_73 : memref<!tpu.dma_semaphore, #tpu.memory_space<semaphore_mem>>)
        %dma_wait3A = arith.constant 0 : i32
        %dma_wait3A_85 = arith.constant 0 : i32
        %dma_wait3A_86 = tpu.memref_slice %arg6[%dma_wait3A, %dma_wait3A_85] : memref<65x128xf32, #tpu.memory_space<vmem>> -> memref<64x128xf32, #tpu.memory_space<vmem>>
        %dma_wait3A_87 = arith.constant 0 : i32
        %dma_wait3A_88 = tpu.memref_slice %arg2[%shift_right_arithmetic3A_42, %and3A_46, %and3A_48, %dma_wait3A_87] : memref<2x128x128x128xf32, #tpu.memory_space<hbm>> -> memref<1x1x64x128xf32, #tpu.memory_space<hbm>>
        %dma_wait3A_89 = tpu.memref_squeeze %dma_wait3A_88 : memref<1x1x64x128xf32, #tpu.memory_space<hbm>> -> memref<64x128xf32, #tpu.memory_space<hbm>>
        %dma_wait3A_90 = arith.constant 0 : i32
        %dma_wait3A_91 = arith.constant 0 : i32
        %dma_wait3A_92 = tpu.memref_slice %arg6[%dma_wait3A_90, %dma_wait3A_91] : memref<65x128xf32, #tpu.memory_space<vmem>> -> memref<64x128xf32, #tpu.memory_space<vmem>>
        %dma_wait3A_93 = arith.constant 0 : i32
        %dma_wait3A_94 = tpu.memref_slice %arg2[%shift_right_arithmetic3A_42, %and3A_46, %and3A_48, %dma_wait3A_93] : memref<2x128x128x128xf32, #tpu.memory_space<hbm>> -> memref<1x1x64x128xf32, #tpu.memory_space<hbm>>
        %dma_wait3A_95 = tpu.memref_squeeze %dma_wait3A_94 : memref<1x1x64x128xf32, #tpu.memory_space<hbm>> -> memref<64x128xf32, #tpu.memory_space<hbm>>
        tpu.wait_dma2 semaphore(%run_scoped3A_73 : memref<!tpu.dma_semaphore, #tpu.memory_space<semaphore_mem>>) src(%dma_wait3A_95 : memref<64x128xf32, #tpu.memory_space<hbm>>) dst(%dma_wait3A_92 : memref<64x128xf32, #tpu.memory_space<vmem>>)
        tpu.yield
      }) : () -> ()
      %add3A_49 = arith.constant 8192 : i32
      %add3A_50 = arith.addi %add3A_38, %add3A_49 : i32
      %min3A = arith.constant 4194296 : i32
      %min3A_51 = arith.minsi %add3A_50, %min3A : i32
      %shift_right_arithmetic3A_52 = arith.constant 7 : i32
      %shift_right_arithmetic3A_53 = arith.shrsi %min3A_51, %shift_right_arithmetic3A_52 : i32
      %shift_right_arithmetic3A_54 = arith.constant 14 : i32
      %shift_right_arithmetic3A_55 = arith.shrsi %shift_right_arithmetic3A_53, %shift_right_arithmetic3A_54 : i32
      %shift_right_arithmetic3A_56 = arith.constant 7 : i32
      %shift_right_arithmetic3A_57 = arith.shrsi %shift_right_arithmetic3A_53, %shift_right_arithmetic3A_56 : i32
      %and3A_58 = arith.constant 127 : i32
      %and3A_59 = arith.andi %shift_right_arithmetic3A_57, %and3A_58 : i32
      %and3A_60 = arith.constant 127 : i32
      %and3A_61 = arith.andi %shift_right_arithmetic3A_53, %and3A_60 : i32
      %and3A_62 = arith.constant 127 : i32
      %and3A_63 = arith.andi %min3A_51, %and3A_62 : i32
      %multiple_of3A = tpu.assume_multiple %and3A_63, 8 : i32
      %run_scoped3A = arith.constant 64 : i32
      "tpu.region"() ({
        %run_scoped3A_73 = tpu.sem_alloc : memref<!tpu.dma_semaphore, #tpu.memory_space<semaphore_mem>>
        %dma_start3A = arith.constant 0 : i32
        %dma_start3A_74 = tpu.memref_slice %arg6[%run_scoped3A, %dma_start3A] : memref<65x128xf32, #tpu.memory_space<vmem>> -> memref<1x8xf32, #tpu.memory_space<vmem>>
        %dma_start3A_75 = tpu.memref_squeeze %dma_start3A_74 : memref<1x8xf32, #tpu.memory_space<vmem>> -> memref<8xf32, #tpu.memory_space<vmem>>
        %dma_start3A_76 = tpu.memref_slice %arg2[%shift_right_arithmetic3A_55, %and3A_59, %and3A_61, %multiple_of3A] : memref<2x128x128x128xf32, #tpu.memory_space<hbm>> -> memref<1x1x1x8xf32, #tpu.memory_space<hbm>>
        %dma_start3A_77 = tpu.memref_squeeze %dma_start3A_76 : memref<1x1x1x8xf32, #tpu.memory_space<hbm>> -> memref<8xf32, #tpu.memory_space<hbm>>
        %dma_start3A_78 = arith.constant 0 : i32
        %dma_start3A_79 = tpu.memref_slice %arg6[%run_scoped3A, %dma_start3A_78] : memref<65x128xf32, #tpu.memory_space<vmem>> -> memref<1x8xf32, #tpu.memory_space<vmem>>
        %dma_start3A_80 = tpu.memref_squeeze %dma_start3A_79 : memref<1x8xf32, #tpu.memory_space<vmem>> -> memref<8xf32, #tpu.memory_space<vmem>>
        %dma_start3A_81 = tpu.memref_slice %arg2[%shift_right_arithmetic3A_55, %and3A_59, %and3A_61, %multiple_of3A] : memref<2x128x128x128xf32, #tpu.memory_space<hbm>> -> memref<1x1x1x8xf32, #tpu.memory_space<hbm>>
        %dma_start3A_82 = tpu.memref_squeeze %dma_start3A_81 : memref<1x1x1x8xf32, #tpu.memory_space<hbm>> -> memref<8xf32, #tpu.memory_space<hbm>>
        tpu.enqueue_dma source(%dma_start3A_82 : memref<8xf32, #tpu.memory_space<hbm>>) target(%dma_start3A_80 : memref<8xf32, #tpu.memory_space<vmem>>) target_semaphore(%run_scoped3A_73 : memref<!tpu.dma_semaphore, #tpu.memory_space<semaphore_mem>>)
        %dma_wait3A = arith.constant 0 : i32
        %dma_wait3A_83 = tpu.memref_slice %arg6[%run_scoped3A, %dma_wait3A] : memref<65x128xf32, #tpu.memory_space<vmem>> -> memref<1x8xf32, #tpu.memory_space<vmem>>
        %dma_wait3A_84 = tpu.memref_squeeze %dma_wait3A_83 : memref<1x8xf32, #tpu.memory_space<vmem>> -> memref<8xf32, #tpu.memory_space<vmem>>
        %dma_wait3A_85 = tpu.memref_slice %arg2[%shift_right_arithmetic3A_55, %and3A_59, %and3A_61, %multiple_of3A] : memref<2x128x128x128xf32, #tpu.memory_space<hbm>> -> memref<1x1x1x8xf32, #tpu.memory_space<hbm>>
        %dma_wait3A_86 = tpu.memref_squeeze %dma_wait3A_85 : memref<1x1x1x8xf32, #tpu.memory_space<hbm>> -> memref<8xf32, #tpu.memory_space<hbm>>
        %dma_wait3A_87 = arith.constant 0 : i32
        %dma_wait3A_88 = tpu.memref_slice %arg6[%run_scoped3A, %dma_wait3A_87] : memref<65x128xf32, #tpu.memory_space<vmem>> -> memref<1x8xf32, #tpu.memory_space<vmem>>
        %dma_wait3A_89 = tpu.memref_squeeze %dma_wait3A_88 : memref<1x8xf32, #tpu.memory_space<vmem>> -> memref<8xf32, #tpu.memory_space<vmem>>
        %dma_wait3A_90 = tpu.memref_slice %arg2[%shift_right_arithmetic3A_55, %and3A_59, %and3A_61, %multiple_of3A] : memref<2x128x128x128xf32, #tpu.memory_space<hbm>> -> memref<1x1x1x8xf32, #tpu.memory_space<hbm>>
        %dma_wait3A_91 = tpu.memref_squeeze %dma_wait3A_90 : memref<1x1x1x8xf32, #tpu.memory_space<hbm>> -> memref<8xf32, #tpu.memory_space<hbm>>
        tpu.wait_dma2 semaphore(%run_scoped3A_73 : memref<!tpu.dma_semaphore, #tpu.memory_space<semaphore_mem>>) src(%dma_wait3A_91 : memref<8xf32, #tpu.memory_space<hbm>>) dst(%dma_wait3A_89 : memref<8xf32, #tpu.memory_space<vmem>>)
        tpu.yield
      }) : () -> ()
      %scan3A_64 = arith.constant 0 : i32
      %scan3A_65 = arith.constant 0 : i32
      %scan3A_66 = arith.constant 1024 : i32
      %scan3A_67 = arith.addi %scan3A_65, %scan3A_66 : i32
      %scan3A_68 = arith.constant 1 : i32
      scf.for %scan3A_73 = %scan3A_65 to %scan3A_67 step %scan3A_68  : i32 {
        %mul3A_74 = arith.constant 8 : i32
        %mul3A_75 = arith.muli %scan3A_73, %mul3A_74 : i32
        %add3A_76 = vector.broadcast %mul3A_75 : i32 to vector<16xi32>
        %add3A_77 = arith.addi %add3A_76, %add3A_13 : vector<16xi32>
        %shift_right_arithmetic3A_78 = arith.constant 7 : i32
        %shift_right_arithmetic3A_79 = vector.broadcast %shift_right_arithmetic3A_78 : i32 to vector<16xi32>
        %shift_right_arithmetic3A_80 = arith.shrsi %add3A_77, %shift_right_arithmetic3A_79 : vector<16xi32>
        %and3A_81 = arith.constant 127 : i32
        %and3A_82 = vector.broadcast %and3A_81 : i32 to vector<16xi32>
        %and3A_83 = arith.andi %add3A_77, %and3A_82 : vector<16xi32>
        %gather3A = tpu.vector_load_idx %arg6[%shift_right_arithmetic3A_80, %and3A_83] : memref<65x128xf32, #tpu.memory_space<vmem>>[vector<16xi32>, vector<16xi32>], vector<16xf32>,
        %mul3A_84 = arith.constant 2 : i32
        %mul3A_85 = arith.muli %scan3A_73, %mul3A_84 : i32
        %add3A_86 = vector.broadcast %mul3A_85 : i32 to vector<16xi32>
        %add3A_87 = arith.addi %add3A_86, %shift_right_arithmetic3A_16 : vector<16xi32>
        tpu.vector_store_idx %arg7[%add3A_87, %and3A_19], %gather3A : memref<2048x8xf32, #tpu.memory_space<vmem>>[vector<16xi32>, vector<16xi32>], vector<16xf32>,
      }
      %scan3A_69 = arith.constant 1024 : i32
      %mul3A_70 = arith.constant 2048 : i32
      %mul3A_71 = arith.muli %scan3A_33, %mul3A_70 : i32
      %add3A_72 = arith.addi %mul3A_21, %mul3A_71 : i32
      "tpu.region"() ({
        %run_scoped3A_73 = tpu.sem_alloc : memref<!tpu.dma_semaphore, #tpu.memory_space<semaphore_mem>>
        %dma_start3A = arith.constant 0 : i32
        %dma_start3A_74 = tpu.memref_slice %arg5[%arg0, %add3A_72, %dma_start3A] : memref<2x1048576x8xf32, #tpu.memory_space<hbm>> -> memref<1x2048x8xf32, #tpu.memory_space<hbm>>
        %dma_start3A_75 = tpu.memref_squeeze %dma_start3A_74 : memref<1x2048x8xf32, #tpu.memory_space<hbm>> -> memref<2048x8xf32, #tpu.memory_space<hbm>>
        %dma_start3A_76 = arith.constant 0 : i32
        %dma_start3A_77 = tpu.memref_slice %arg5[%arg0, %add3A_72, %dma_start3A_76] : memref<2x1048576x8xf32, #tpu.memory_space<hbm>> -> memref<1x2048x8xf32, #tpu.memory_space<hbm>>
        %dma_start3A_78 = tpu.memref_squeeze %dma_start3A_77 : memref<1x2048x8xf32, #tpu.memory_space<hbm>> -> memref<2048x8xf32, #tpu.memory_space<hbm>>
        tpu.enqueue_dma source(%arg7 : memref<2048x8xf32, #tpu.memory_space<vmem>>) target(%dma_start3A_78 : memref<2048x8xf32, #tpu.memory_space<hbm>>) target_semaphore(%run_scoped3A_73 : memref<!tpu.dma_semaphore, #tpu.memory_space<semaphore_mem>>)
        %dma_wait3A = arith.constant 0 : i32
        %dma_wait3A_79 = tpu.memref_slice %arg5[%arg0, %add3A_72, %dma_wait3A] : memref<2x1048576x8xf32, #tpu.memory_space<hbm>> -> memref<1x2048x8xf32, #tpu.memory_space<hbm>>
        %dma_wait3A_80 = tpu.memref_squeeze %dma_wait3A_79 : memref<1x2048x8xf32, #tpu.memory_space<hbm>> -> memref<2048x8xf32, #tpu.memory_space<hbm>>
        %dma_wait3A_81 = arith.constant 0 : i32
        %dma_wait3A_82 = tpu.memref_slice %arg5[%arg0, %add3A_72, %dma_wait3A_81] : memref<2x1048576x8xf32, #tpu.memory_space<hbm>> -> memref<1x2048x8xf32, #tpu.memory_space<hbm>>
        %dma_wait3A_83 = tpu.memref_squeeze %dma_wait3A_82 : memref<1x2048x8xf32, #tpu.memory_space<hbm>> -> memref<2048x8xf32, #tpu.memory_space<hbm>>
        tpu.wait_dma2 semaphore(%run_scoped3A_73 : memref<!tpu.dma_semaphore, #tpu.memory_space<semaphore_mem>>) src(%arg7 : memref<2048x8xf32, #tpu.memory_space<vmem>>) dst(%dma_wait3A_83 : memref<2048x8xf32, #tpu.memory_space<hbm>>)
        tpu.yield
      }) : () -> ()
    }
    %scan3A_26 = arith.constant 32 : i32
    %barrier3A = arith.constant 0 : index
    tpu.barrier barrier_id(%barrier3A)
    %scan3A_27 = arith.constant 0 : i32
    %scan3A_28 = arith.constant 0 : i32
    %scan3A_29 = arith.constant 64 : i32
    %scan3A_30 = arith.addi %scan3A_28, %scan3A_29 : i32
    %scan3A_31 = arith.constant 1 : i32
    scf.for %scan3A_33 = %scan3A_28 to %scan3A_30 step %scan3A_31  : i32 {
      %mul3A_34 = arith.constant 2048 : i32
      %mul3A_35 = arith.muli %scan3A_33, %mul3A_34 : i32
      %add3A_36 = arith.addi %mul3A_2, %mul3A_35 : i32
      %mul3A_37 = arith.constant 3 : i32
      %mul3A_38 = arith.muli %add3A_36, %mul3A_37 : i32
      "tpu.region"() ({
        %run_scoped3A = tpu.sem_alloc : memref<!tpu.dma_semaphore, #tpu.memory_space<semaphore_mem>>
        %dma_start3A = tpu.memref_slice %arg3[%mul3A_38] : memref<12582912xf32, #tpu.memory_space<hbm>> -> memref<6144xf32, #tpu.memory_space<hbm>>
        %dma_start3A_155 = tpu.memref_slice %arg3[%mul3A_38] : memref<12582912xf32, #tpu.memory_space<hbm>> -> memref<6144xf32, #tpu.memory_space<hbm>>
        tpu.enqueue_dma source(%dma_start3A_155 : memref<6144xf32, #tpu.memory_space<hbm>>) target(%arg8 : memref<6144xf32, #tpu.memory_space<vmem>>) target_semaphore(%run_scoped3A : memref<!tpu.dma_semaphore, #tpu.memory_space<semaphore_mem>>)
        %dma_wait3A = tpu.memref_slice %arg3[%mul3A_38] : memref<12582912xf32, #tpu.memory_space<hbm>> -> memref<6144xf32, #tpu.memory_space<hbm>>
        %dma_wait3A_156 = tpu.memref_slice %arg3[%mul3A_38] : memref<12582912xf32, #tpu.memory_space<hbm>> -> memref<6144xf32, #tpu.memory_space<hbm>>
        tpu.wait_dma2 semaphore(%run_scoped3A : memref<!tpu.dma_semaphore, #tpu.memory_space<semaphore_mem>>) src(%dma_wait3A_156 : memref<6144xf32, #tpu.memory_space<hbm>>) dst(%arg8 : memref<6144xf32, #tpu.memory_space<vmem>>)
        tpu.yield
      }) : () -> ()
      %jit3A = arith.constant 2097152 : i32
      %div3A = arith.divsi %add3A_36, %jit3A : i32
      %sign3A = arith.constant 0 : i32
      %sign3A_39 = arith.cmpi sgt, %add3A_36, %sign3A : i32
      %sign3A_40 = arith.extui %sign3A_39 : i1 to i32
      %sign3A_41 = arith.constant 0 : i32
      %sign3A_42 = arith.cmpi slt, %add3A_36, %sign3A_41 : i32
      %sign3A_43 = arith.extui %sign3A_42 : i1 to i32
      %sign3A_44 = arith.subi %sign3A_40, %sign3A_43 : i32
      %sign3A_45 = arith.constant 0 : i32
      %sign3A_46 = arith.cmpi sgt, %jit3A, %sign3A_45 : i32
      %sign3A_47 = arith.extui %sign3A_46 : i1 to i32
      %sign3A_48 = arith.constant 0 : i32
      %sign3A_49 = arith.cmpi slt, %jit3A, %sign3A_48 : i32
      %sign3A_50 = arith.extui %sign3A_49 : i1 to i32
      %sign3A_51 = arith.subi %sign3A_47, %sign3A_50 : i32
      %ne3A = arith.cmpi ne, %sign3A_44, %sign3A_51 : i32
      %rem3A = arith.remsi %add3A_36, %jit3A : i32
      %ne3A_52 = arith.constant 0 : i32
      %ne3A_53 = arith.cmpi ne, %rem3A, %ne3A_52 : i32
      %and3A_54 = arith.andi %ne3A, %ne3A_53 : i1
      %sub3A = arith.constant 1 : i32
      %sub3A_55 = arith.subi %div3A, %sub3A : i32
      %select_n3A = arith.select %and3A_54, %sub3A_55, %div3A : i32
      %mul3A_56 = arith.constant 2097152 : i32
      %mul3A_57 = arith.muli %select_n3A, %mul3A_56 : i32
      %jit3A_58 = arith.constant 16384 : i32
      %div3A_59 = arith.divsi %add3A_36, %jit3A_58 : i32
      %sign3A_60 = arith.constant 0 : i32
      %sign3A_61 = arith.cmpi sgt, %add3A_36, %sign3A_60 : i32
      %sign3A_62 = arith.extui %sign3A_61 : i1 to i32
      %sign3A_63 = arith.constant 0 : i32
      %sign3A_64 = arith.cmpi slt, %add3A_36, %sign3A_63 : i32
      %sign3A_65 = arith.extui %sign3A_64 : i1 to i32
      %sign3A_66 = arith.subi %sign3A_62, %sign3A_65 : i32
      %sign3A_67 = arith.constant 0 : i32
      %sign3A_68 = arith.cmpi sgt, %jit3A_58, %sign3A_67 : i32
      %sign3A_69 = arith.extui %sign3A_68 : i1 to i32
      %sign3A_70 = arith.constant 0 : i32
      %sign3A_71 = arith.cmpi slt, %jit3A_58, %sign3A_70 : i32
      %sign3A_72 = arith.extui %sign3A_71 : i1 to i32
      %sign3A_73 = arith.subi %sign3A_69, %sign3A_72 : i32
      %ne3A_74 = arith.cmpi ne, %sign3A_66, %sign3A_73 : i32
      %rem3A_75 = arith.remsi %add3A_36, %jit3A_58 : i32
      %ne3A_76 = arith.constant 0 : i32
      %ne3A_77 = arith.cmpi ne, %rem3A_75, %ne3A_76 : i32
      %and3A_78 = arith.andi %ne3A_74, %ne3A_77 : i1
      %sub3A_79 = arith.constant 1 : i32
      %sub3A_80 = arith.subi %div3A_59, %sub3A_79 : i32
      %select_n3A_81 = arith.select %and3A_78, %sub3A_80, %div3A_59 : i32
      %jit3A_82 = arith.constant 128 : i32
      %eq3A = arith.constant 0 : i32
      %eq3A_83 = arith.cmpi eq, %jit3A_82, %eq3A : i32
      %jit3A_84 = arith.constant 1 : i32
      %select_n3A_85 = arith.select %eq3A_83, %jit3A_84, %jit3A_82 : i32
      %rem3A_86 = arith.remsi %select_n3A_81, %select_n3A_85 : i32
      %ne3A_87 = arith.constant 0 : i32
      %ne3A_88 = arith.cmpi ne, %rem3A_86, %ne3A_87 : i32
      %lt3A = arith.constant 0 : i32
      %lt3A_89 = arith.cmpi slt, %rem3A_86, %lt3A : i32
      %lt3A_90 = arith.constant 0 : i32
      %lt3A_91 = arith.cmpi slt, %select_n3A_85, %lt3A_90 : i32
      %ne3A_92 = arith.xori %lt3A_89, %lt3A_91 : i1
      %and3A_93 = arith.andi %ne3A_92, %ne3A_88 : i1
      %add3A_94 = arith.addi %rem3A_86, %select_n3A_85 : i32
      %select_n3A_95 = arith.select %and3A_93, %add3A_94, %rem3A_86 : i32
      %jit3A_96 = arith.constant 128 : i32
      %div3A_97 = arith.divsi %add3A_36, %jit3A_96 : i32
      %sign3A_98 = arith.constant 0 : i32
      %sign3A_99 = arith.cmpi sgt, %add3A_36, %sign3A_98 : i32
      %sign3A_100 = arith.extui %sign3A_99 : i1 to i32
      %sign3A_101 = arith.constant 0 : i32
      %sign3A_102 = arith.cmpi slt, %add3A_36, %sign3A_101 : i32
      %sign3A_103 = arith.extui %sign3A_102 : i1 to i32
      %sign3A_104 = arith.subi %sign3A_100, %sign3A_103 : i32
      %sign3A_105 = arith.constant 0 : i32
      %sign3A_106 = arith.cmpi sgt, %jit3A_96, %sign3A_105 : i32
      %sign3A_107 = arith.extui %sign3A_106 : i1 to i32
      %sign3A_108 = arith.constant 0 : i32
      %sign3A_109 = arith.cmpi slt, %jit3A_96, %sign3A_108 : i32
      %sign3A_110 = arith.extui %sign3A_109 : i1 to i32
      %sign3A_111 = arith.subi %sign3A_107, %sign3A_110 : i32
      %ne3A_112 = arith.cmpi ne, %sign3A_104, %sign3A_111 : i32
      %rem3A_113 = arith.remsi %add3A_36, %jit3A_96 : i32
      %ne3A_114 = arith.constant 0 : i32
      %ne3A_115 = arith.cmpi ne, %rem3A_113, %ne3A_114 : i32
      %and3A_116 = arith.andi %ne3A_112, %ne3A_115 : i1
      %sub3A_117 = arith.constant 1 : i32
      %sub3A_118 = arith.subi %div3A_97, %sub3A_117 : i32
      %select_n3A_119 = arith.select %and3A_116, %sub3A_118, %div3A_97 : i32
      %jit3A_120 = arith.constant 128 : i32
      %eq3A_121 = arith.constant 0 : i32
      %eq3A_122 = arith.cmpi eq, %jit3A_120, %eq3A_121 : i32
      %jit3A_123 = arith.constant 1 : i32
      %select_n3A_124 = arith.select %eq3A_122, %jit3A_123, %jit3A_120 : i32
      %rem3A_125 = arith.remsi %select_n3A_119, %select_n3A_124 : i32
      %ne3A_126 = arith.constant 0 : i32
      %ne3A_127 = arith.cmpi ne, %rem3A_125, %ne3A_126 : i32
      %lt3A_128 = arith.constant 0 : i32
      %lt3A_129 = arith.cmpi slt, %rem3A_125, %lt3A_128 : i32
      %lt3A_130 = arith.constant 0 : i32
      %lt3A_131 = arith.cmpi slt, %select_n3A_124, %lt3A_130 : i32
      %ne3A_132 = arith.xori %lt3A_129, %lt3A_131 : i1
      %and3A_133 = arith.andi %ne3A_132, %ne3A_127 : i1
      %add3A_134 = arith.addi %rem3A_125, %select_n3A_124 : i32
      %select_n3A_135 = arith.select %and3A_133, %add3A_134, %rem3A_125 : i32
      %convert_element_type3A_136 = arith.sitofp %select_n3A_95 : i32 to f32
      %scan3A_137 = arith.constant 0 : i32
      %scan3A_138 = arith.constant 0 : i32
      %scan3A_139 = arith.constant 128 : i32
      %scan3A_140 = arith.addi %scan3A_138, %scan3A_139 : i32
      %scan3A_141 = arith.constant 1 : i32
      scf.for %scan3A_155 = %scan3A_138 to %scan3A_140 step %scan3A_141  : i32 {
        %mul3A_156 = arith.constant 16 : i32
        %mul3A_157 = arith.muli %scan3A_155, %mul3A_156 : i32
        %mul3A_158 = arith.constant 3 : i32
        %mul3A_159 = arith.muli %mul3A_157, %mul3A_158 : i32
        %add3A_160 = vector.broadcast %mul3A_159 : i32 to vector<16xi32>
        %add3A_161 = arith.addi %add3A_160, %mul3A_5 : vector<16xi32>
        %gather3A = tpu.vector_load_idx %arg8[%add3A_161] : memref<6144xf32, #tpu.memory_space<vmem>>[vector<16xi32>], vector<16xf32>,
        %add3A_162 = vector.broadcast %mul3A_159 : i32 to vector<16xi32>
        %add3A_163 = arith.addi %add3A_162, %mul3A_5 : vector<16xi32>
        %add3A_164 = arith.constant 1 : i32
        %add3A_165 = vector.broadcast %add3A_164 : i32 to vector<16xi32>
        %add3A_166 = arith.addi %add3A_163, %add3A_165 : vector<16xi32>
        %gather3A_167 = tpu.vector_load_idx %arg8[%add3A_166] : memref<6144xf32, #tpu.memory_space<vmem>>[vector<16xi32>], vector<16xf32>,
        %add3A_168 = vector.broadcast %mul3A_159 : i32 to vector<16xi32>
        %add3A_169 = arith.addi %add3A_168, %mul3A_5 : vector<16xi32>
        %add3A_170 = arith.constant 2 : i32
        %add3A_171 = vector.broadcast %add3A_170 : i32 to vector<16xi32>
        %add3A_172 = arith.addi %add3A_169, %add3A_171 : vector<16xi32>
        %gather3A_173 = tpu.vector_load_idx %arg8[%add3A_172] : memref<6144xf32, #tpu.memory_space<vmem>>[vector<16xi32>], vector<16xf32>,
        %jit3A_174 = arith.constant 8 : i32
        %div3A_175 = arith.divsi %scan3A_155, %jit3A_174 : i32
        %sign3A_176 = arith.constant 0 : i32
        %sign3A_177 = arith.cmpi sgt, %scan3A_155, %sign3A_176 : i32
        %sign3A_178 = arith.extui %sign3A_177 : i1 to i32
        %sign3A_179 = arith.constant 0 : i32
        %sign3A_180 = arith.cmpi slt, %scan3A_155, %sign3A_179 : i32
        %sign3A_181 = arith.extui %sign3A_180 : i1 to i32
        %sign3A_182 = arith.subi %sign3A_178, %sign3A_181 : i32
        %sign3A_183 = arith.constant 0 : i32
        %sign3A_184 = arith.cmpi sgt, %jit3A_174, %sign3A_183 : i32
        %sign3A_185 = arith.extui %sign3A_184 : i1 to i32
        %sign3A_186 = arith.constant 0 : i32
        %sign3A_187 = arith.cmpi slt, %jit3A_174, %sign3A_186 : i32
        %sign3A_188 = arith.extui %sign3A_187 : i1 to i32
        %sign3A_189 = arith.subi %sign3A_185, %sign3A_188 : i32
        %ne3A_190 = arith.cmpi ne, %sign3A_182, %sign3A_189 : i32
        %rem3A_191 = arith.remsi %scan3A_155, %jit3A_174 : i32
        %ne3A_192 = arith.constant 0 : i32
        %ne3A_193 = arith.cmpi ne, %rem3A_191, %ne3A_192 : i32
        %and3A_194 = arith.andi %ne3A_190, %ne3A_193 : i1
        %sub3A_195 = arith.constant 1 : i32
        %sub3A_196 = arith.subi %div3A_175, %sub3A_195 : i32
        %select_n3A_197 = arith.select %and3A_194, %sub3A_196, %div3A_175 : i32
        %add3A_198 = arith.addi %select_n3A_135, %select_n3A_197 : i32
        %convert_element_type3A_199 = arith.sitofp %add3A_198 : i32 to f32
        %jit3A_200 = arith.constant 8 : i32
        %eq3A_201 = arith.constant 0 : i32
        %eq3A_202 = arith.cmpi eq, %jit3A_200, %eq3A_201 : i32
        %jit3A_203 = arith.constant 1 : i32
        %select_n3A_204 = arith.select %eq3A_202, %jit3A_203, %jit3A_200 : i32
        %rem3A_205 = arith.remsi %scan3A_155, %select_n3A_204 : i32
        %ne3A_206 = arith.constant 0 : i32
        %ne3A_207 = arith.cmpi ne, %rem3A_205, %ne3A_206 : i32
        %lt3A_208 = arith.constant 0 : i32
        %lt3A_209 = arith.cmpi slt, %rem3A_205, %lt3A_208 : i32
        %lt3A_210 = arith.constant 0 : i32
        %lt3A_211 = arith.cmpi slt, %select_n3A_204, %lt3A_210 : i32
        %ne3A_212 = arith.xori %lt3A_209, %lt3A_211 : i1
        %and3A_213 = arith.andi %ne3A_212, %ne3A_207 : i1
        %add3A_214 = arith.addi %rem3A_205, %select_n3A_204 : i32
        %select_n3A_215 = arith.select %and3A_213, %add3A_214, %rem3A_205 : i32
        %mul3A_216 = arith.constant 16 : i32
        %mul3A_217 = arith.muli %select_n3A_215, %mul3A_216 : i32
        %convert_element_type3A_218 = arith.sitofp %mul3A_217 : i32 to f32
        %add3A_219 = vector.broadcast %convert_element_type3A_199 : f32 to vector<16xf32>
        %add3A_220 = arith.addf %gather3A_167, %add3A_219 : vector<16xf32>
        %add3A_221 = vector.broadcast %convert_element_type3A_136 : f32 to vector<16xf32>
        %add3A_222 = arith.addf %gather3A, %add3A_221 : vector<16xf32>
        %add3A_223 = vector.broadcast %convert_element_type3A_218 : f32 to vector<16xf32>
        %add3A_224 = arith.addf %add3A_223, %convert_element_type3A : vector<16xf32>
        %add3A_225 = arith.addf %gather3A_173, %add3A_224 : vector<16xf32>
        %convert_element_type3A_226 = arith.fptosi %add3A_220 : vector<16xf32> to vector<16xi32>
        %convert_element_type3A_227 = arith.sitofp %convert_element_type3A_226 : vector<16xi32> to vector<16xf32>
        %gt3A = arith.cmpf ogt, %convert_element_type3A_227, %add3A_220 : vector<16xf32>
        %sub3A_228 = arith.constant 1 : i32
        %sub3A_229 = vector.broadcast %sub3A_228 : i32 to vector<16xi32>
        %sub3A_230 = arith.subi %convert_element_type3A_226, %sub3A_229 : vector<16xi32>
        %select_n3A_231 = arith.select %gt3A, %sub3A_230, %convert_element_type3A_226 : vector<16xi1>, vector<16xi32>
        %convert_element_type3A_232 = arith.sitofp %select_n3A_231 : vector<16xi32> to vector<16xf32>
        %sub3A_233 = arith.subf %add3A_220, %convert_element_type3A_232 : vector<16xf32>
        %convert_element_type3A_234 = arith.fptosi %add3A_222 : vector<16xf32> to vector<16xi32>
        %convert_element_type3A_235 = arith.sitofp %convert_element_type3A_234 : vector<16xi32> to vector<16xf32>
        %gt3A_236 = arith.cmpf ogt, %convert_element_type3A_235, %add3A_222 : vector<16xf32>
        %sub3A_237 = arith.constant 1 : i32
        %sub3A_238 = vector.broadcast %sub3A_237 : i32 to vector<16xi32>
        %sub3A_239 = arith.subi %convert_element_type3A_234, %sub3A_238 : vector<16xi32>
        %select_n3A_240 = arith.select %gt3A_236, %sub3A_239, %convert_element_type3A_234 : vector<16xi1>, vector<16xi32>
        %convert_element_type3A_241 = arith.sitofp %select_n3A_240 : vector<16xi32> to vector<16xf32>
        %sub3A_242 = arith.subf %add3A_222, %convert_element_type3A_241 : vector<16xf32>
        %convert_element_type3A_243 = arith.fptosi %add3A_225 : vector<16xf32> to vector<16xi32>
        %convert_element_type3A_244 = arith.sitofp %convert_element_type3A_243 : vector<16xi32> to vector<16xf32>
        %gt3A_245 = arith.cmpf ogt, %convert_element_type3A_244, %add3A_225 : vector<16xf32>
        %sub3A_246 = arith.constant 1 : i32
        %sub3A_247 = vector.broadcast %sub3A_246 : i32 to vector<16xi32>
        %sub3A_248 = arith.subi %convert_element_type3A_243, %sub3A_247 : vector<16xi32>
        %select_n3A_249 = arith.select %gt3A_245, %sub3A_248, %convert_element_type3A_243 : vector<16xi1>, vector<16xi32>
        %convert_element_type3A_250 = arith.sitofp %select_n3A_249 : vector<16xi32> to vector<16xf32>
        %sub3A_251 = arith.subf %add3A_225, %convert_element_type3A_250 : vector<16xf32>
        %jit3A_252 = arith.constant 0 : i32
        %jit3A_253 = arith.constant 127 : i32
        %max3A = vector.broadcast %jit3A_252 : i32 to vector<16xi32>
        %max3A_254 = arith.maxsi %max3A, %select_n3A_231 : vector<16xi32>
        %min3A = vector.broadcast %jit3A_253 : i32 to vector<16xi32>
        %min3A_255 = arith.minsi %min3A, %max3A_254 : vector<16xi32>
        %add3A_256 = arith.constant 1 : i32
        %add3A_257 = vector.broadcast %add3A_256 : i32 to vector<16xi32>
        %add3A_258 = arith.addi %select_n3A_231, %add3A_257 : vector<16xi32>
        %jit3A_259 = arith.constant 0 : i32
        %jit3A_260 = arith.constant 127 : i32
        %max3A_261 = vector.broadcast %jit3A_259 : i32 to vector<16xi32>
        %max3A_262 = arith.maxsi %max3A_261, %add3A_258 : vector<16xi32>
        %min3A_263 = vector.broadcast %jit3A_260 : i32 to vector<16xi32>
        %min3A_264 = arith.minsi %min3A_263, %max3A_262 : vector<16xi32>
        %jit3A_265 = arith.constant 0 : i32
        %jit3A_266 = arith.constant 127 : i32
        %max3A_267 = vector.broadcast %jit3A_265 : i32 to vector<16xi32>
        %max3A_268 = arith.maxsi %max3A_267, %select_n3A_240 : vector<16xi32>
        %min3A_269 = vector.broadcast %jit3A_266 : i32 to vector<16xi32>
        %min3A_270 = arith.minsi %min3A_269, %max3A_268 : vector<16xi32>
        %add3A_271 = arith.constant 1 : i32
        %add3A_272 = vector.broadcast %add3A_271 : i32 to vector<16xi32>
        %add3A_273 = arith.addi %select_n3A_240, %add3A_272 : vector<16xi32>
        %jit3A_274 = arith.constant 0 : i32
        %jit3A_275 = arith.constant 127 : i32
        %max3A_276 = vector.broadcast %jit3A_274 : i32 to vector<16xi32>
        %max3A_277 = arith.maxsi %max3A_276, %add3A_273 : vector<16xi32>
        %min3A_278 = vector.broadcast %jit3A_275 : i32 to vector<16xi32>
        %min3A_279 = arith.minsi %min3A_278, %max3A_277 : vector<16xi32>
        %jit3A_280 = arith.constant 0 : i32
        %jit3A_281 = arith.constant 126 : i32
        %max3A_282 = vector.broadcast %jit3A_280 : i32 to vector<16xi32>
        %max3A_283 = arith.maxsi %max3A_282, %select_n3A_249 : vector<16xi32>
        %min3A_284 = vector.broadcast %jit3A_281 : i32 to vector<16xi32>
        %min3A_285 = arith.minsi %min3A_284, %max3A_283 : vector<16xi32>
        %lt3A_286 = arith.constant 0 : i32
        %lt3A_287 = vector.broadcast %lt3A_286 : i32 to vector<16xi32>
        %lt3A_288 = arith.cmpi slt, %select_n3A_249, %lt3A_287 : vector<16xi32>
        %ge3A = arith.constant 127 : i32
        %ge3A_289 = vector.broadcast %ge3A : i32 to vector<16xi32>
        %ge3A_290 = arith.cmpi sge, %select_n3A_249, %ge3A_289 : vector<16xi32>
        %or3A = arith.ori %lt3A_288, %ge3A_290 : vector<16xi1>
        %ge3A_291 = arith.constant 127 : i32
        %ge3A_292 = vector.broadcast %ge3A_291 : i32 to vector<16xi32>
        %ge3A_293 = arith.cmpi sge, %select_n3A_249, %ge3A_292 : vector<16xi32>
        %jit3A_294 = arith.constant 1.000000e+00 : f32
        %jit3A_295 = arith.constant 0.000000e+00 : f32
        %broadcast_in_dim3A = vector.broadcast %jit3A_294 : f32 to vector<16xf32>
        %broadcast_in_dim3A_296 = vector.broadcast %jit3A_295 : f32 to vector<16xf32>
        %select_n3A_297 = arith.select %ge3A_293, %broadcast_in_dim3A, %broadcast_in_dim3A_296 : vector<16xi1>, vector<16xf32>
        %select_n3A_298 = arith.select %or3A, %select_n3A_297, %sub3A_251 : vector<16xi1>, vector<16xf32>
        %sub3A_299 = arith.constant 1.000000e+00 : f32
        %sub3A_300 = vector.broadcast %sub3A_299 : f32 to vector<16xf32>
        %sub3A_301 = arith.subf %sub3A_300, %sub3A_233 : vector<16xf32>
        %sub3A_302 = arith.constant 1.000000e+00 : f32
        %sub3A_303 = vector.broadcast %sub3A_302 : f32 to vector<16xf32>
        %sub3A_304 = arith.subf %sub3A_303, %sub3A_242 : vector<16xf32>
        %mul3A_305 = arith.constant 16384 : i32
        %mul3A_306 = vector.broadcast %mul3A_305 : i32 to vector<16xi32>
        %mul3A_307 = arith.muli %min3A_270, %mul3A_306 : vector<16xi32>
        %add3A_308 = vector.broadcast %mul3A_57 : i32 to vector<16xi32>
        %add3A_309 = arith.addi %add3A_308, %min3A_285 : vector<16xi32>
        %add3A_310 = arith.addi %mul3A_307, %add3A_309 : vector<16xi32>
        %mul3A_311 = arith.constant 16384 : i32
        %mul3A_312 = vector.broadcast %mul3A_311 : i32 to vector<16xi32>
        %mul3A_313 = arith.muli %min3A_279, %mul3A_312 : vector<16xi32>
        %add3A_314 = vector.broadcast %mul3A_57 : i32 to vector<16xi32>
        %add3A_315 = arith.addi %add3A_314, %min3A_285 : vector<16xi32>
        %add3A_316 = arith.addi %mul3A_313, %add3A_315 : vector<16xi32>
        %mul3A_317 = arith.constant 128 : i32
        %mul3A_318 = vector.broadcast %mul3A_317 : i32 to vector<16xi32>
        %mul3A_319 = arith.muli %min3A_255, %mul3A_318 : vector<16xi32>
        %mul3A_320 = arith.constant 128 : i32
        %mul3A_321 = vector.broadcast %mul3A_320 : i32 to vector<16xi32>
        %mul3A_322 = arith.muli %min3A_264, %mul3A_321 : vector<16xi32>
        %jit3A_323 = arith.constant 8 : i32
        %div3A_324 = arith.divsi %scan3A_155, %jit3A_323 : i32
        %sign3A_325 = arith.constant 0 : i32
        %sign3A_326 = arith.cmpi sgt, %scan3A_155, %sign3A_325 : i32
        %sign3A_327 = arith.extui %sign3A_326 : i1 to i32
        %sign3A_328 = arith.constant 0 : i32
        %sign3A_329 = arith.cmpi slt, %scan3A_155, %sign3A_328 : i32
        %sign3A_330 = arith.extui %sign3A_329 : i1 to i32
        %sign3A_331 = arith.subi %sign3A_327, %sign3A_330 : i32
        %sign3A_332 = arith.constant 0 : i32
        %sign3A_333 = arith.cmpi sgt, %jit3A_323, %sign3A_332 : i32
        %sign3A_334 = arith.extui %sign3A_333 : i1 to i32
        %sign3A_335 = arith.constant 0 : i32
        %sign3A_336 = arith.cmpi slt, %jit3A_323, %sign3A_335 : i32
        %sign3A_337 = arith.extui %sign3A_336 : i1 to i32
        %sign3A_338 = arith.subi %sign3A_334, %sign3A_337 : i32
        %ne3A_339 = arith.cmpi ne, %sign3A_331, %sign3A_338 : i32
        %rem3A_340 = arith.remsi %scan3A_155, %jit3A_323 : i32
        %ne3A_341 = arith.constant 0 : i32
        %ne3A_342 = arith.cmpi ne, %rem3A_340, %ne3A_341 : i32
        %and3A_343 = arith.andi %ne3A_339, %ne3A_342 : i1
        %sub3A_344 = arith.constant 1 : i32
        %sub3A_345 = arith.subi %div3A_324, %sub3A_344 : i32
        %select_n3A_346 = arith.select %and3A_343, %sub3A_345, %div3A_324 : i32
        %jit3A_347 = arith.constant 8 : i32
        %eq3A_348 = arith.constant 0 : i32
        %eq3A_349 = arith.cmpi eq, %jit3A_347, %eq3A_348 : i32
        %jit3A_350 = arith.constant 1 : i32
        %select_n3A_351 = arith.select %eq3A_349, %jit3A_350, %jit3A_347 : i32
        %rem3A_352 = arith.remsi %scan3A_155, %select_n3A_351 : i32
        %ne3A_353 = arith.constant 0 : i32
        %ne3A_354 = arith.cmpi ne, %rem3A_352, %ne3A_353 : i32
        %lt3A_355 = arith.constant 0 : i32
        %lt3A_356 = arith.cmpi slt, %rem3A_352, %lt3A_355 : i32
        %lt3A_357 = arith.constant 0 : i32
        %lt3A_358 = arith.cmpi slt, %select_n3A_351, %lt3A_357 : i32
        %ne3A_359 = arith.xori %lt3A_356, %lt3A_358 : i1
        %and3A_360 = arith.andi %ne3A_359, %ne3A_354 : i1
        %add3A_361 = arith.addi %rem3A_352, %select_n3A_351 : i32
        %select_n3A_362 = arith.select %and3A_360, %add3A_361, %rem3A_352 : i32
        %mul3A_363 = arith.constant 16 : i32
        %mul3A_364 = arith.muli %select_n3A_362, %mul3A_363 : i32
        %add3A_365 = arith.addi %add3A_310, %mul3A_319 : vector<16xi32>
        %shift_right_arithmetic3A_366 = arith.constant 2 : i32
        %shift_right_arithmetic3A_367 = vector.broadcast %shift_right_arithmetic3A_366 : i32 to vector<16xi32>
        %shift_right_arithmetic3A_368 = arith.shrsi %add3A_365, %shift_right_arithmetic3A_367 : vector<16xi32>
        %swap3A = arith.constant 0 : i32
        %swap3A_369 = arith.index_cast %swap3A : i32 to index
        %swap3A_370 = arith.index_cast %select_n3A_346 : i32 to index
        %swap3A_371 = arith.index_cast %mul3A_364 : i32 to index
        %swap3A_372 = tpu.vector_load %arg9[%swap3A_369, %swap3A_370, %swap3A_371] {strides = array<i32>} : memref<4x16x128xi32, #tpu.memory_space<vmem>>, vector<16xi32>,
        tpu.vector_store %arg9[%swap3A_369, %swap3A_370, %swap3A_371], %shift_right_arithmetic3A_368 {strides = array<i32>} : memref<4x16x128xi32, #tpu.memory_space<vmem>>, vector<16xi32>,
        %add3A_373 = arith.addi %add3A_310, %mul3A_322 : vector<16xi32>
        %shift_right_arithmetic3A_374 = arith.constant 2 : i32
        %shift_right_arithmetic3A_375 = vector.broadcast %shift_right_arithmetic3A_374 : i32 to vector<16xi32>
        %shift_right_arithmetic3A_376 = arith.shrsi %add3A_373, %shift_right_arithmetic3A_375 : vector<16xi32>
        %swap3A_377 = arith.constant 1 : i32
        %swap3A_378 = arith.index_cast %swap3A_377 : i32 to index
        %swap3A_379 = arith.index_cast %select_n3A_346 : i32 to index
        %swap3A_380 = arith.index_cast %mul3A_364 : i32 to index
        %swap3A_381 = tpu.vector_load %arg9[%swap3A_378, %swap3A_379, %swap3A_380] {strides = array<i32>} : memref<4x16x128xi32, #tpu.memory_space<vmem>>, vector<16xi32>,
        tpu.vector_store %arg9[%swap3A_378, %swap3A_379, %swap3A_380], %shift_right_arithmetic3A_376 {strides = array<i32>} : memref<4x16x128xi32, #tpu.memory_space<vmem>>, vector<16xi32>,
        %add3A_382 = arith.addi %add3A_316, %mul3A_319 : vector<16xi32>
        %shift_right_arithmetic3A_383 = arith.constant 2 : i32
        %shift_right_arithmetic3A_384 = vector.broadcast %shift_right_arithmetic3A_383 : i32 to vector<16xi32>
        %shift_right_arithmetic3A_385 = arith.shrsi %add3A_382, %shift_right_arithmetic3A_384 : vector<16xi32>
        %swap3A_386 = arith.constant 2 : i32
        %swap3A_387 = arith.index_cast %swap3A_386 : i32 to index
        %swap3A_388 = arith.index_cast %select_n3A_346 : i32 to index
        %swap3A_389 = arith.index_cast %mul3A_364 : i32 to index
        %swap3A_390 = tpu.vector_load %arg9[%swap3A_387, %swap3A_388, %swap3A_389] {strides = array<i32>} : memref<4x16x128xi32, #tpu.memory_space<vmem>>, vector<16xi32>,
        tpu.vector_store %arg9[%swap3A_387, %swap3A_388, %swap3A_389], %shift_right_arithmetic3A_385 {strides = array<i32>} : memref<4x16x128xi32, #tpu.memory_space<vmem>>, vector<16xi32>,
        %add3A_391 = arith.addi %add3A_316, %mul3A_322 : vector<16xi32>
        %shift_right_arithmetic3A_392 = arith.constant 2 : i32
        %shift_right_arithmetic3A_393 = vector.broadcast %shift_right_arithmetic3A_392 : i32 to vector<16xi32>
        %shift_right_arithmetic3A_394 = arith.shrsi %add3A_391, %shift_right_arithmetic3A_393 : vector<16xi32>
        %swap3A_395 = arith.constant 3 : i32
        %swap3A_396 = arith.index_cast %swap3A_395 : i32 to index
        %swap3A_397 = arith.index_cast %select_n3A_346 : i32 to index
        %swap3A_398 = arith.index_cast %mul3A_364 : i32 to index
        %swap3A_399 = tpu.vector_load %arg9[%swap3A_396, %swap3A_397, %swap3A_398] {strides = array<i32>} : memref<4x16x128xi32, #tpu.memory_space<vmem>>, vector<16xi32>,
        tpu.vector_store %arg9[%swap3A_396, %swap3A_397, %swap3A_398], %shift_right_arithmetic3A_394 {strides = array<i32>} : memref<4x16x128xi32, #tpu.memory_space<vmem>>, vector<16xi32>,
        %mul3A_400 = arith.mulf %sub3A_301, %sub3A_304 : vector<16xf32>
        %swap3A_401 = arith.constant 0 : i32
        %swap3A_402 = arith.index_cast %swap3A_401 : i32 to index
        %swap3A_403 = arith.index_cast %mul3A_157 : i32 to index
        %swap3A_404 = tpu.vector_load %arg10[%swap3A_402, %swap3A_403] {strides = array<i32>} : memref<5x2048xf32, #tpu.memory_space<vmem>>, vector<16xf32>,
        tpu.vector_store %arg10[%swap3A_402, %swap3A_403], %mul3A_400 {strides = array<i32>} : memref<5x2048xf32, #tpu.memory_space<vmem>>, vector<16xf32>,
        %mul3A_405 = arith.mulf %sub3A_233, %sub3A_304 : vector<16xf32>
        %swap3A_406 = arith.constant 1 : i32
        %swap3A_407 = arith.index_cast %swap3A_406 : i32 to index
        %swap3A_408 = arith.index_cast %mul3A_157 : i32 to index
        %swap3A_409 = tpu.vector_load %arg10[%swap3A_407, %swap3A_408] {strides = array<i32>} : memref<5x2048xf32, #tpu.memory_space<vmem>>, vector<16xf32>,
        tpu.vector_store %arg10[%swap3A_407, %swap3A_408], %mul3A_405 {strides = array<i32>} : memref<5x2048xf32, #tpu.memory_space<vmem>>, vector<16xf32>,
        %mul3A_410 = arith.mulf %sub3A_301, %sub3A_242 : vector<16xf32>
        %swap3A_411 = arith.constant 2 : i32
        %swap3A_412 = arith.index_cast %swap3A_411 : i32 to index
        %swap3A_413 = arith.index_cast %mul3A_157 : i32 to index
        %swap3A_414 = tpu.vector_load %arg10[%swap3A_412, %swap3A_413] {strides = array<i32>} : memref<5x2048xf32, #tpu.memory_space<vmem>>, vector<16xf32>,
        tpu.vector_store %arg10[%swap3A_412, %swap3A_413], %mul3A_410 {strides = array<i32>} : memref<5x2048xf32, #tpu.memory_space<vmem>>, vector<16xf32>,
        %mul3A_415 = arith.mulf %sub3A_233, %sub3A_242 : vector<16xf32>
        %swap3A_416 = arith.constant 3 : i32
        %swap3A_417 = arith.index_cast %swap3A_416 : i32 to index
        %swap3A_418 = arith.index_cast %mul3A_157 : i32 to index
        %swap3A_419 = tpu.vector_load %arg10[%swap3A_417, %swap3A_418] {strides = array<i32>} : memref<5x2048xf32, #tpu.memory_space<vmem>>, vector<16xf32>,
        tpu.vector_store %arg10[%swap3A_417, %swap3A_418], %mul3A_415 {strides = array<i32>} : memref<5x2048xf32, #tpu.memory_space<vmem>>, vector<16xf32>,
        %swap3A_420 = arith.constant 4 : i32
        %swap3A_421 = arith.index_cast %swap3A_420 : i32 to index
        %swap3A_422 = arith.index_cast %mul3A_157 : i32 to index
        %swap3A_423 = tpu.vector_load %arg10[%swap3A_421, %swap3A_422] {strides = array<i32>} : memref<5x2048xf32, #tpu.memory_space<vmem>>, vector<16xf32>,
        tpu.vector_store %arg10[%swap3A_421, %swap3A_422], %select_n3A_298 {strides = array<i32>} : memref<5x2048xf32, #tpu.memory_space<vmem>>, vector<16xf32>,
        %and3A_424 = arith.constant 3 : i32
        %and3A_425 = vector.broadcast %and3A_424 : i32 to vector<16xi32>
        %and3A_426 = arith.andi %min3A_285, %and3A_425 : vector<16xi32>
        %swap3A_427 = arith.index_cast %mul3A_157 : i32 to index
        %swap3A_428 = tpu.vector_load %arg11[%swap3A_427] {strides = array<i32>} : memref<2048xi32, #tpu.memory_space<vmem>>, vector<16xi32>,
        tpu.vector_store %arg11[%swap3A_427], %and3A_426 {strides = array<i32>} : memref<2048xi32, #tpu.memory_space<vmem>>, vector<16xi32>,
      }
      %scan3A_142 = arith.constant 128 : i32
      %scan3A_143 = arith.constant 0 : i32
      %scan3A_144 = arith.constant 0 : i32
      %scan3A_145 = arith.constant 16 : i32
      %scan3A_146 = arith.addi %scan3A_144, %scan3A_145 : i32
      %scan3A_147 = arith.constant 1 : i32
      scf.for %scan3A_155 = %scan3A_144 to %scan3A_146 step %scan3A_147  : i32 {
        %mul3A_156 = arith.constant 128 : i32
        %mul3A_157 = arith.muli %scan3A_155, %mul3A_156 : i32
        %dma_start3A = arith.constant 0 : i32
        %dma_start3A_158 = arith.constant 0 : i32
        %dma_start3A_159 = arith.constant 0 : i32
        %dma_start3A_160 = tpu.memref_slice %arg12[%dma_start3A_158, %mul3A_157, %dma_start3A_159] : memref<4x2048x8xf32, #tpu.memory_space<vmem>> -> memref<1x128x8xf32, #tpu.memory_space<vmem>>
        %dma_start3A_161 = tpu.memref_squeeze %dma_start3A_160 : memref<1x128x8xf32, #tpu.memory_space<vmem>> -> memref<128x8xf32, #tpu.memory_space<vmem>>
        %dma_start3A_162 = arith.constant 0 : i32
        %dma_start3A_163 = tpu.memref_slice %arg9[%dma_start3A, %scan3A_155, %dma_start3A_162] : memref<4x16x128xi32, #tpu.memory_space<vmem>> -> memref<1x1x128xi32, #tpu.memory_space<vmem>>
        %dma_start3A_164 = tpu.memref_squeeze %dma_start3A_163 : memref<1x1x128xi32, #tpu.memory_space<vmem>> -> memref<128xi32, #tpu.memory_space<vmem>>
        %dma_start3A_165 = arith.constant 0 : i32
        %dma_start3A_166 = arith.constant 0 : i32
        %dma_start3A_167 = tpu.memref_slice %arg5[%arg0, %dma_start3A_165, %dma_start3A_166] : memref<2x1048576x8xf32, #tpu.memory_space<hbm>> -> memref<1x1048576x8xf32, #tpu.memory_space<hbm>>
        %dma_start3A_168 = tpu.memref_squeeze %dma_start3A_167 : memref<1x1048576x8xf32, #tpu.memory_space<hbm>> -> memref<1048576x8xf32, #tpu.memory_space<hbm>>
        %dma_start3A_169 = arith.constant 0 : i32
        %dma_start3A_170 = arith.constant 0 : i32
        %dma_start3A_171 = tpu.memref_slice %dma_start3A_168[%dma_start3A_169, %dma_start3A_170] : memref<1048576x8xf32, #tpu.memory_space<hbm>> -> memref<1048576x8xf32, #tpu.memory_space<hbm>>
        tpu.enqueue_indirect_dma source(%dma_start3A_171 : memref<1048576x8xf32, #tpu.memory_space<hbm>>) target(%dma_start3A_161 : memref<128x8xf32, #tpu.memory_space<vmem>>) offsets(%dma_start3A_164 : memref<128xi32, #tpu.memory_space<vmem>>) semaphore(%arg14 : memref<!tpu.dma_semaphore, #tpu.memory_space<semaphore_mem>>)
        %mul3A_172 = arith.constant 128 : i32
        %mul3A_173 = arith.muli %scan3A_155, %mul3A_172 : i32
        %dma_start3A_174 = arith.constant 1 : i32
        %dma_start3A_175 = arith.constant 1 : i32
        %dma_start3A_176 = arith.constant 0 : i32
        %dma_start3A_177 = tpu.memref_slice %arg12[%dma_start3A_175, %mul3A_173, %dma_start3A_176] : memref<4x2048x8xf32, #tpu.memory_space<vmem>> -> memref<1x128x8xf32, #tpu.memory_space<vmem>>
        %dma_start3A_178 = tpu.memref_squeeze %dma_start3A_177 : memref<1x128x8xf32, #tpu.memory_space<vmem>> -> memref<128x8xf32, #tpu.memory_space<vmem>>
        %dma_start3A_179 = arith.constant 0 : i32
        %dma_start3A_180 = tpu.memref_slice %arg9[%dma_start3A_174, %scan3A_155, %dma_start3A_179] : memref<4x16x128xi32, #tpu.memory_space<vmem>> -> memref<1x1x128xi32, #tpu.memory_space<vmem>>
        %dma_start3A_181 = tpu.memref_squeeze %dma_start3A_180 : memref<1x1x128xi32, #tpu.memory_space<vmem>> -> memref<128xi32, #tpu.memory_space<vmem>>
        %dma_start3A_182 = arith.constant 0 : i32
        %dma_start3A_183 = arith.constant 0 : i32
        %dma_start3A_184 = tpu.memref_slice %arg5[%arg0, %dma_start3A_182, %dma_start3A_183] : memref<2x1048576x8xf32, #tpu.memory_space<hbm>> -> memref<1x1048576x8xf32, #tpu.memory_space<hbm>>
        %dma_start3A_185 = tpu.memref_squeeze %dma_start3A_184 : memref<1x1048576x8xf32, #tpu.memory_space<hbm>> -> memref<1048576x8xf32, #tpu.memory_space<hbm>>
        %dma_start3A_186 = arith.constant 0 : i32
        %dma_start3A_187 = arith.constant 0 : i32
        %dma_start3A_188 = tpu.memref_slice %dma_start3A_185[%dma_start3A_186, %dma_start3A_187] : memref<1048576x8xf32, #tpu.memory_space<hbm>> -> memref<1048576x8xf32, #tpu.memory_space<hbm>>
        tpu.enqueue_indirect_dma source(%dma_start3A_188 : memref<1048576x8xf32, #tpu.memory_space<hbm>>) target(%dma_start3A_178 : memref<128x8xf32, #tpu.memory_space<vmem>>) offsets(%dma_start3A_181 : memref<128xi32, #tpu.memory_space<vmem>>) semaphore(%arg14 : memref<!tpu.dma_semaphore, #tpu.memory_space<semaphore_mem>>)
        %mul3A_189 = arith.constant 128 : i32
        %mul3A_190 = arith.muli %scan3A_155, %mul3A_189 : i32
        %dma_start3A_191 = arith.constant 2 : i32
        %dma_start3A_192 = arith.constant 2 : i32
        %dma_start3A_193 = arith.constant 0 : i32
        %dma_start3A_194 = tpu.memref_slice %arg12[%dma_start3A_192, %mul3A_190, %dma_start3A_193] : memref<4x2048x8xf32, #tpu.memory_space<vmem>> -> memref<1x128x8xf32, #tpu.memory_space<vmem>>
        %dma_start3A_195 = tpu.memref_squeeze %dma_start3A_194 : memref<1x128x8xf32, #tpu.memory_space<vmem>> -> memref<128x8xf32, #tpu.memory_space<vmem>>
        %dma_start3A_196 = arith.constant 0 : i32
        %dma_start3A_197 = tpu.memref_slice %arg9[%dma_start3A_191, %scan3A_155, %dma_start3A_196] : memref<4x16x128xi32, #tpu.memory_space<vmem>> -> memref<1x1x128xi32, #tpu.memory_space<vmem>>
        %dma_start3A_198 = tpu.memref_squeeze %dma_start3A_197 : memref<1x1x128xi32, #tpu.memory_space<vmem>> -> memref<128xi32, #tpu.memory_space<vmem>>
        %dma_start3A_199 = arith.constant 0 : i32
        %dma_start3A_200 = arith.constant 0 : i32
        %dma_start3A_201 = tpu.memref_slice %arg5[%arg0, %dma_start3A_199, %dma_start3A_200] : memref<2x1048576x8xf32, #tpu.memory_space<hbm>> -> memref<1x1048576x8xf32, #tpu.memory_space<hbm>>
        %dma_start3A_202 = tpu.memref_squeeze %dma_start3A_201 : memref<1x1048576x8xf32, #tpu.memory_space<hbm>> -> memref<1048576x8xf32, #tpu.memory_space<hbm>>
        %dma_start3A_203 = arith.constant 0 : i32
        %dma_start3A_204 = arith.constant 0 : i32
        %dma_start3A_205 = tpu.memref_slice %dma_start3A_202[%dma_start3A_203, %dma_start3A_204] : memref<1048576x8xf32, #tpu.memory_space<hbm>> -> memref<1048576x8xf32, #tpu.memory_space<hbm>>
        tpu.enqueue_indirect_dma source(%dma_start3A_205 : memref<1048576x8xf32, #tpu.memory_space<hbm>>) target(%dma_start3A_195 : memref<128x8xf32, #tpu.memory_space<vmem>>) offsets(%dma_start3A_198 : memref<128xi32, #tpu.memory_space<vmem>>) semaphore(%arg14 : memref<!tpu.dma_semaphore, #tpu.memory_space<semaphore_mem>>)
        %mul3A_206 = arith.constant 128 : i32
        %mul3A_207 = arith.muli %scan3A_155, %mul3A_206 : i32
        %dma_start3A_208 = arith.constant 3 : i32
        %dma_start3A_209 = arith.constant 3 : i32
        %dma_start3A_210 = arith.constant 0 : i32
        %dma_start3A_211 = tpu.memref_slice %arg12[%dma_start3A_209, %mul3A_207, %dma_start3A_210] : memref<4x2048x8xf32, #tpu.memory_space<vmem>> -> memref<1x128x8xf32, #tpu.memory_space<vmem>>
        %dma_start3A_212 = tpu.memref_squeeze %dma_start3A_211 : memref<1x128x8xf32, #tpu.memory_space<vmem>> -> memref<128x8xf32, #tpu.memory_space<vmem>>
        %dma_start3A_213 = arith.constant 0 : i32
        %dma_start3A_214 = tpu.memref_slice %arg9[%dma_start3A_208, %scan3A_155, %dma_start3A_213] : memref<4x16x128xi32, #tpu.memory_space<vmem>> -> memref<1x1x128xi32, #tpu.memory_space<vmem>>
        %dma_start3A_215 = tpu.memref_squeeze %dma_start3A_214 : memref<1x1x128xi32, #tpu.memory_space<vmem>> -> memref<128xi32, #tpu.memory_space<vmem>>
        %dma_start3A_216 = arith.constant 0 : i32
        %dma_start3A_217 = arith.constant 0 : i32
        %dma_start3A_218 = tpu.memref_slice %arg5[%arg0, %dma_start3A_216, %dma_start3A_217] : memref<2x1048576x8xf32, #tpu.memory_space<hbm>> -> memref<1x1048576x8xf32, #tpu.memory_space<hbm>>
        %dma_start3A_219 = tpu.memref_squeeze %dma_start3A_218 : memref<1x1048576x8xf32, #tpu.memory_space<hbm>> -> memref<1048576x8xf32, #tpu.memory_space<hbm>>
        %dma_start3A_220 = arith.constant 0 : i32
        %dma_start3A_221 = arith.constant 0 : i32
        %dma_start3A_222 = tpu.memref_slice %dma_start3A_219[%dma_start3A_220, %dma_start3A_221] : memref<1048576x8xf32, #tpu.memory_space<hbm>> -> memref<1048576x8xf32, #tpu.memory_space<hbm>>
        tpu.enqueue_indirect_dma source(%dma_start3A_222 : memref<1048576x8xf32, #tpu.memory_space<hbm>>) target(%dma_start3A_212 : memref<128x8xf32, #tpu.memory_space<vmem>>) offsets(%dma_start3A_215 : memref<128xi32, #tpu.memory_space<vmem>>) semaphore(%arg14 : memref<!tpu.dma_semaphore, #tpu.memory_space<semaphore_mem>>)
        %dma_wait3A = arith.constant 0 : i32
        %dma_wait3A_223 = arith.constant 0 : i32
        %dma_wait3A_224 = arith.constant 0 : i32
        %dma_wait3A_225 = tpu.memref_slice %arg12[%dma_wait3A_223, %mul3A_157, %dma_wait3A_224] : memref<4x2048x8xf32, #tpu.memory_space<vmem>> -> memref<1x128x8xf32, #tpu.memory_space<vmem>>
        %dma_wait3A_226 = tpu.memref_squeeze %dma_wait3A_225 : memref<1x128x8xf32, #tpu.memory_space<vmem>> -> memref<128x8xf32, #tpu.memory_space<vmem>>
        %dma_wait3A_227 = arith.constant 0 : i32
        %dma_wait3A_228 = tpu.memref_slice %arg9[%dma_wait3A, %scan3A_155, %dma_wait3A_227] : memref<4x16x128xi32, #tpu.memory_space<vmem>> -> memref<1x1x128xi32, #tpu.memory_space<vmem>>
        %dma_wait3A_229 = tpu.memref_squeeze %dma_wait3A_228 : memref<1x1x128xi32, #tpu.memory_space<vmem>> -> memref<128xi32, #tpu.memory_space<vmem>>
        %dma_wait3A_230 = arith.constant 0 : i32
        %dma_wait3A_231 = arith.constant 0 : i32
        %dma_wait3A_232 = tpu.memref_slice %arg5[%arg0, %dma_wait3A_230, %dma_wait3A_231] : memref<2x1048576x8xf32, #tpu.memory_space<hbm>> -> memref<1x1048576x8xf32, #tpu.memory_space<hbm>>
        %dma_wait3A_233 = tpu.memref_squeeze %dma_wait3A_232 : memref<1x1048576x8xf32, #tpu.memory_space<hbm>> -> memref<1048576x8xf32, #tpu.memory_space<hbm>>
        %dma_wait3A_234 = arith.constant 0 : i32
        %dma_wait3A_235 = arith.constant 0 : i32
        %dma_wait3A_236 = tpu.memref_slice %dma_wait3A_233[%dma_wait3A_234, %dma_wait3A_235] : memref<1048576x8xf32, #tpu.memory_space<hbm>> -> memref<1048576x8xf32, #tpu.memory_space<hbm>>
        tpu.wait_indirect_dma semaphore(%arg14 : memref<!tpu.dma_semaphore, #tpu.memory_space<semaphore_mem>>) src(%dma_wait3A_236 : memref<1048576x8xf32, #tpu.memory_space<hbm>>) dst(%dma_wait3A_226 : memref<128x8xf32, #tpu.memory_space<vmem>>)
        %dma_wait3A_237 = arith.constant 1 : i32
        %dma_wait3A_238 = arith.constant 1 : i32
        %dma_wait3A_239 = arith.constant 0 : i32
        %dma_wait3A_240 = tpu.memref_slice %arg12[%dma_wait3A_238, %mul3A_173, %dma_wait3A_239] : memref<4x2048x8xf32, #tpu.memory_space<vmem>> -> memref<1x128x8xf32, #tpu.memory_space<vmem>>
        %dma_wait3A_241 = tpu.memref_squeeze %dma_wait3A_240 : memref<1x128x8xf32, #tpu.memory_space<vmem>> -> memref<128x8xf32, #tpu.memory_space<vmem>>
        %dma_wait3A_242 = arith.constant 0 : i32
        %dma_wait3A_243 = tpu.memref_slice %arg9[%dma_wait3A_237, %scan3A_155, %dma_wait3A_242] : memref<4x16x128xi32, #tpu.memory_space<vmem>> -> memref<1x1x128xi32, #tpu.memory_space<vmem>>
        %dma_wait3A_244 = tpu.memref_squeeze %dma_wait3A_243 : memref<1x1x128xi32, #tpu.memory_space<vmem>> -> memref<128xi32, #tpu.memory_space<vmem>>
        %dma_wait3A_245 = arith.constant 0 : i32
        %dma_wait3A_246 = arith.constant 0 : i32
        %dma_wait3A_247 = tpu.memref_slice %arg5[%arg0, %dma_wait3A_245, %dma_wait3A_246] : memref<2x1048576x8xf32, #tpu.memory_space<hbm>> -> memref<1x1048576x8xf32, #tpu.memory_space<hbm>>
        %dma_wait3A_248 = tpu.memref_squeeze %dma_wait3A_247 : memref<1x1048576x8xf32, #tpu.memory_space<hbm>> -> memref<1048576x8xf32, #tpu.memory_space<hbm>>
        %dma_wait3A_249 = arith.constant 0 : i32
        %dma_wait3A_250 = arith.constant 0 : i32
        %dma_wait3A_251 = tpu.memref_slice %dma_wait3A_248[%dma_wait3A_249, %dma_wait3A_250] : memref<1048576x8xf32, #tpu.memory_space<hbm>> -> memref<1048576x8xf32, #tpu.memory_space<hbm>>
        tpu.wait_indirect_dma semaphore(%arg14 : memref<!tpu.dma_semaphore, #tpu.memory_space<semaphore_mem>>) src(%dma_wait3A_251 : memref<1048576x8xf32, #tpu.memory_space<hbm>>) dst(%dma_wait3A_241 : memref<128x8xf32, #tpu.memory_space<vmem>>)
        %dma_wait3A_252 = arith.constant 2 : i32
        %dma_wait3A_253 = arith.constant 2 : i32
        %dma_wait3A_254 = arith.constant 0 : i32
        %dma_wait3A_255 = tpu.memref_slice %arg12[%dma_wait3A_253, %mul3A_190, %dma_wait3A_254] : memref<4x2048x8xf32, #tpu.memory_space<vmem>> -> memref<1x128x8xf32, #tpu.memory_space<vmem>>
        %dma_wait3A_256 = tpu.memref_squeeze %dma_wait3A_255 : memref<1x128x8xf32, #tpu.memory_space<vmem>> -> memref<128x8xf32, #tpu.memory_space<vmem>>
        %dma_wait3A_257 = arith.constant 0 : i32
        %dma_wait3A_258 = tpu.memref_slice %arg9[%dma_wait3A_252, %scan3A_155, %dma_wait3A_257] : memref<4x16x128xi32, #tpu.memory_space<vmem>> -> memref<1x1x128xi32, #tpu.memory_space<vmem>>
        %dma_wait3A_259 = tpu.memref_squeeze %dma_wait3A_258 : memref<1x1x128xi32, #tpu.memory_space<vmem>> -> memref<128xi32, #tpu.memory_space<vmem>>
        %dma_wait3A_260 = arith.constant 0 : i32
        %dma_wait3A_261 = arith.constant 0 : i32
        %dma_wait3A_262 = tpu.memref_slice %arg5[%arg0, %dma_wait3A_260, %dma_wait3A_261] : memref<2x1048576x8xf32, #tpu.memory_space<hbm>> -> memref<1x1048576x8xf32, #tpu.memory_space<hbm>>
        %dma_wait3A_263 = tpu.memref_squeeze %dma_wait3A_262 : memref<1x1048576x8xf32, #tpu.memory_space<hbm>> -> memref<1048576x8xf32, #tpu.memory_space<hbm>>
        %dma_wait3A_264 = arith.constant 0 : i32
        %dma_wait3A_265 = arith.constant 0 : i32
        %dma_wait3A_266 = tpu.memref_slice %dma_wait3A_263[%dma_wait3A_264, %dma_wait3A_265] : memref<1048576x8xf32, #tpu.memory_space<hbm>> -> memref<1048576x8xf32, #tpu.memory_space<hbm>>
        tpu.wait_indirect_dma semaphore(%arg14 : memref<!tpu.dma_semaphore, #tpu.memory_space<semaphore_mem>>) src(%dma_wait3A_266 : memref<1048576x8xf32, #tpu.memory_space<hbm>>) dst(%dma_wait3A_256 : memref<128x8xf32, #tpu.memory_space<vmem>>)
        %dma_wait3A_267 = arith.constant 3 : i32
        %dma_wait3A_268 = arith.constant 3 : i32
        %dma_wait3A_269 = arith.constant 0 : i32
        %dma_wait3A_270 = tpu.memref_slice %arg12[%dma_wait3A_268, %mul3A_207, %dma_wait3A_269] : memref<4x2048x8xf32, #tpu.memory_space<vmem>> -> memref<1x128x8xf32, #tpu.memory_space<vmem>>
        %dma_wait3A_271 = tpu.memref_squeeze %dma_wait3A_270 : memref<1x128x8xf32, #tpu.memory_space<vmem>> -> memref<128x8xf32, #tpu.memory_space<vmem>>
        %dma_wait3A_272 = arith.constant 0 : i32
        %dma_wait3A_273 = tpu.memref_slice %arg9[%dma_wait3A_267, %scan3A_155, %dma_wait3A_272] : memref<4x16x128xi32, #tpu.memory_space<vmem>> -> memref<1x1x128xi32, #tpu.memory_space<vmem>>
        %dma_wait3A_274 = tpu.memref_squeeze %dma_wait3A_273 : memref<1x1x128xi32, #tpu.memory_space<vmem>> -> memref<128xi32, #tpu.memory_space<vmem>>
        %dma_wait3A_275 = arith.constant 0 : i32
        %dma_wait3A_276 = arith.constant 0 : i32
        %dma_wait3A_277 = tpu.memref_slice %arg5[%arg0, %dma_wait3A_275, %dma_wait3A_276] : memref<2x1048576x8xf32, #tpu.memory_space<hbm>> -> memref<1x1048576x8xf32, #tpu.memory_space<hbm>>
        %dma_wait3A_278 = tpu.memref_squeeze %dma_wait3A_277 : memref<1x1048576x8xf32, #tpu.memory_space<hbm>> -> memref<1048576x8xf32, #tpu.memory_space<hbm>>
        %dma_wait3A_279 = arith.constant 0 : i32
        %dma_wait3A_280 = arith.constant 0 : i32
        %dma_wait3A_281 = tpu.memref_slice %dma_wait3A_278[%dma_wait3A_279, %dma_wait3A_280] : memref<1048576x8xf32, #tpu.memory_space<hbm>> -> memref<1048576x8xf32, #tpu.memory_space<hbm>>
        tpu.wait_indirect_dma semaphore(%arg14 : memref<!tpu.dma_semaphore, #tpu.memory_space<semaphore_mem>>) src(%dma_wait3A_281 : memref<1048576x8xf32, #tpu.memory_space<hbm>>) dst(%dma_wait3A_271 : memref<128x8xf32, #tpu.memory_space<vmem>>)
      }
      %scan3A_148 = arith.constant 16 : i32
      %scan3A_149 = arith.constant 0 : i32
      %scan3A_150 = arith.constant 0 : i32
      %scan3A_151 = arith.constant 128 : i32
      %scan3A_152 = arith.addi %scan3A_150, %scan3A_151 : i32
      %scan3A_153 = arith.constant 1 : i32
      scf.for %scan3A_155 = %scan3A_150 to %scan3A_152 step %scan3A_153  : i32 {
        %mul3A_156 = arith.constant 16 : i32
        %mul3A_157 = arith.muli %scan3A_155, %mul3A_156 : i32
        %get3A = arith.constant 4 : i32
        %get3A_158 = arith.index_cast %get3A : i32 to index
        %get3A_159 = arith.index_cast %mul3A_157 : i32 to index
        %get3A_160 = tpu.vector_load %arg10[%get3A_158, %get3A_159] {strides = array<i32>} : memref<5x2048xf32, #tpu.memory_space<vmem>>, vector<16xf32>,
        %get3A_161 = arith.index_cast %mul3A_157 : i32 to index
        %get3A_162 = tpu.vector_load %arg11[%get3A_161] {strides = array<i32>} : memref<2048xi32, #tpu.memory_space<vmem>>, vector<16xi32>,
        %mul3A_163 = arith.constant 0.000000e+00 : f32
        %mul3A_164 = vector.broadcast %mul3A_163 : f32 to vector<16xf32>
        %mul3A_165 = arith.mulf %convert_element_type3A, %mul3A_164 : vector<16xf32>
        %add3A_166 = vector.broadcast %mul3A_157 : i32 to vector<16xi32>
        %add3A_167 = arith.addi %add3A_166, %iota3A : vector<16xi32>
        %gather3A = arith.constant 0 : i32
        %gather3A_168 = arith.constant 0 : i32
        %gather3A_169 = arith.constant 0 : i32
        %gather3A_170 = tpu.memref_slice %arg12[%gather3A, %gather3A_168, %gather3A_169] : memref<4x2048x8xf32, #tpu.memory_space<vmem>> -> memref<1x2048x8xf32, #tpu.memory_space<vmem>>
        %gather3A_171 = tpu.memref_squeeze %gather3A_170 : memref<1x2048x8xf32, #tpu.memory_space<vmem>> -> memref<2048x8xf32, #tpu.memory_space<vmem>>
        %gather3A_172 = tpu.vector_load_idx %gather3A_171[%add3A_167, %get3A_162] : memref<2048x8xf32, #tpu.memory_space<vmem>>[vector<16xi32>, vector<16xi32>], vector<16xf32>,
        %add3A_173 = vector.broadcast %mul3A_157 : i32 to vector<16xi32>
        %add3A_174 = arith.addi %add3A_173, %iota3A : vector<16xi32>
        %add3A_175 = arith.constant 1 : i32
        %add3A_176 = vector.broadcast %add3A_175 : i32 to vector<16xi32>
        %add3A_177 = arith.addi %get3A_162, %add3A_176 : vector<16xi32>
        %gather3A_178 = arith.constant 0 : i32
        %gather3A_179 = arith.constant 0 : i32
        %gather3A_180 = arith.constant 0 : i32
        %gather3A_181 = tpu.memref_slice %arg12[%gather3A_178, %gather3A_179, %gather3A_180] : memref<4x2048x8xf32, #tpu.memory_space<vmem>> -> memref<1x2048x8xf32, #tpu.memory_space<vmem>>
        %gather3A_182 = tpu.memref_squeeze %gather3A_181 : memref<1x2048x8xf32, #tpu.memory_space<vmem>> -> memref<2048x8xf32, #tpu.memory_space<vmem>>
        %gather3A_183 = tpu.vector_load_idx %gather3A_182[%add3A_174, %add3A_177] : memref<2048x8xf32, #tpu.memory_space<vmem>>[vector<16xi32>, vector<16xi32>], vector<16xf32>,
        %get3A_184 = arith.constant 0 : i32
        %get3A_185 = arith.index_cast %get3A_184 : i32 to index
        %get3A_186 = arith.index_cast %mul3A_157 : i32 to index
        %get3A_187 = tpu.vector_load %arg10[%get3A_185, %get3A_186] {strides = array<i32>} : memref<5x2048xf32, #tpu.memory_space<vmem>>, vector<16xf32>,
        %sub3A_188 = arith.subf %gather3A_183, %gather3A_172 : vector<16xf32>
        %mul3A_189 = arith.mulf %get3A_160, %sub3A_188 : vector<16xf32>
        %add3A_190 = arith.addf %gather3A_172, %mul3A_189 : vector<16xf32>
        %mul3A_191 = arith.mulf %get3A_187, %add3A_190 : vector<16xf32>
        %add3A_192 = arith.addf %mul3A_165, %mul3A_191 : vector<16xf32>
        %add3A_193 = vector.broadcast %mul3A_157 : i32 to vector<16xi32>
        %add3A_194 = arith.addi %add3A_193, %iota3A : vector<16xi32>
        %gather3A_195 = arith.constant 1 : i32
        %gather3A_196 = arith.constant 0 : i32
        %gather3A_197 = arith.constant 0 : i32
        %gather3A_198 = tpu.memref_slice %arg12[%gather3A_195, %gather3A_196, %gather3A_197] : memref<4x2048x8xf32, #tpu.memory_space<vmem>> -> memref<1x2048x8xf32, #tpu.memory_space<vmem>>
        %gather3A_199 = tpu.memref_squeeze %gather3A_198 : memref<1x2048x8xf32, #tpu.memory_space<vmem>> -> memref<2048x8xf32, #tpu.memory_space<vmem>>
        %gather3A_200 = tpu.vector_load_idx %gather3A_199[%add3A_194, %get3A_162] : memref<2048x8xf32, #tpu.memory_space<vmem>>[vector<16xi32>, vector<16xi32>], vector<16xf32>,
        %add3A_201 = vector.broadcast %mul3A_157 : i32 to vector<16xi32>
        %add3A_202 = arith.addi %add3A_201, %iota3A : vector<16xi32>
        %add3A_203 = arith.constant 1 : i32
        %add3A_204 = vector.broadcast %add3A_203 : i32 to vector<16xi32>
        %add3A_205 = arith.addi %get3A_162, %add3A_204 : vector<16xi32>
        %gather3A_206 = arith.constant 1 : i32
        %gather3A_207 = arith.constant 0 : i32
        %gather3A_208 = arith.constant 0 : i32
        %gather3A_209 = tpu.memref_slice %arg12[%gather3A_206, %gather3A_207, %gather3A_208] : memref<4x2048x8xf32, #tpu.memory_space<vmem>> -> memref<1x2048x8xf32, #tpu.memory_space<vmem>>
        %gather3A_210 = tpu.memref_squeeze %gather3A_209 : memref<1x2048x8xf32, #tpu.memory_space<vmem>> -> memref<2048x8xf32, #tpu.memory_space<vmem>>
        %gather3A_211 = tpu.vector_load_idx %gather3A_210[%add3A_202, %add3A_205] : memref<2048x8xf32, #tpu.memory_space<vmem>>[vector<16xi32>, vector<16xi32>], vector<16xf32>,
        %get3A_212 = arith.constant 1 : i32
        %get3A_213 = arith.index_cast %get3A_212 : i32 to index
        %get3A_214 = arith.index_cast %mul3A_157 : i32 to index
        %get3A_215 = tpu.vector_load %arg10[%get3A_213, %get3A_214] {strides = array<i32>} : memref<5x2048xf32, #tpu.memory_space<vmem>>, vector<16xf32>,
        %sub3A_216 = arith.subf %gather3A_211, %gather3A_200 : vector<16xf32>
        %mul3A_217 = arith.mulf %get3A_160, %sub3A_216 : vector<16xf32>
        %add3A_218 = arith.addf %gather3A_200, %mul3A_217 : vector<16xf32>
        %mul3A_219 = arith.mulf %get3A_215, %add3A_218 : vector<16xf32>
        %add3A_220 = arith.addf %add3A_192, %mul3A_219 : vector<16xf32>
        %add3A_221 = vector.broadcast %mul3A_157 : i32 to vector<16xi32>
        %add3A_222 = arith.addi %add3A_221, %iota3A : vector<16xi32>
        %gather3A_223 = arith.constant 2 : i32
        %gather3A_224 = arith.constant 0 : i32
        %gather3A_225 = arith.constant 0 : i32
        %gather3A_226 = tpu.memref_slice %arg12[%gather3A_223, %gather3A_224, %gather3A_225] : memref<4x2048x8xf32, #tpu.memory_space<vmem>> -> memref<1x2048x8xf32, #tpu.memory_space<vmem>>
        %gather3A_227 = tpu.memref_squeeze %gather3A_226 : memref<1x2048x8xf32, #tpu.memory_space<vmem>> -> memref<2048x8xf32, #tpu.memory_space<vmem>>
        %gather3A_228 = tpu.vector_load_idx %gather3A_227[%add3A_222, %get3A_162] : memref<2048x8xf32, #tpu.memory_space<vmem>>[vector<16xi32>, vector<16xi32>], vector<16xf32>,
        %add3A_229 = vector.broadcast %mul3A_157 : i32 to vector<16xi32>
        %add3A_230 = arith.addi %add3A_229, %iota3A : vector<16xi32>
        %add3A_231 = arith.constant 1 : i32
        %add3A_232 = vector.broadcast %add3A_231 : i32 to vector<16xi32>
        %add3A_233 = arith.addi %get3A_162, %add3A_232 : vector<16xi32>
        %gather3A_234 = arith.constant 2 : i32
        %gather3A_235 = arith.constant 0 : i32
        %gather3A_236 = arith.constant 0 : i32
        %gather3A_237 = tpu.memref_slice %arg12[%gather3A_234, %gather3A_235, %gather3A_236] : memref<4x2048x8xf32, #tpu.memory_space<vmem>> -> memref<1x2048x8xf32, #tpu.memory_space<vmem>>
        %gather3A_238 = tpu.memref_squeeze %gather3A_237 : memref<1x2048x8xf32, #tpu.memory_space<vmem>> -> memref<2048x8xf32, #tpu.memory_space<vmem>>
        %gather3A_239 = tpu.vector_load_idx %gather3A_238[%add3A_230, %add3A_233] : memref<2048x8xf32, #tpu.memory_space<vmem>>[vector<16xi32>, vector<16xi32>], vector<16xf32>,
        %get3A_240 = arith.constant 2 : i32
        %get3A_241 = arith.index_cast %get3A_240 : i32 to index
        %get3A_242 = arith.index_cast %mul3A_157 : i32 to index
        %get3A_243 = tpu.vector_load %arg10[%get3A_241, %get3A_242] {strides = array<i32>} : memref<5x2048xf32, #tpu.memory_space<vmem>>, vector<16xf32>,
        %sub3A_244 = arith.subf %gather3A_239, %gather3A_228 : vector<16xf32>
        %mul3A_245 = arith.mulf %get3A_160, %sub3A_244 : vector<16xf32>
        %add3A_246 = arith.addf %gather3A_228, %mul3A_245 : vector<16xf32>
        %mul3A_247 = arith.mulf %get3A_243, %add3A_246 : vector<16xf32>
        %add3A_248 = arith.addf %add3A_220, %mul3A_247 : vector<16xf32>
        %add3A_249 = vector.broadcast %mul3A_157 : i32 to vector<16xi32>
        %add3A_250 = arith.addi %add3A_249, %iota3A : vector<16xi32>
        %gather3A_251 = arith.constant 3 : i32
        %gather3A_252 = arith.constant 0 : i32
        %gather3A_253 = arith.constant 0 : i32
        %gather3A_254 = tpu.memref_slice %arg12[%gather3A_251, %gather3A_252, %gather3A_253] : memref<4x2048x8xf32, #tpu.memory_space<vmem>> -> memref<1x2048x8xf32, #tpu.memory_space<vmem>>
        %gather3A_255 = tpu.memref_squeeze %gather3A_254 : memref<1x2048x8xf32, #tpu.memory_space<vmem>> -> memref<2048x8xf32, #tpu.memory_space<vmem>>
        %gather3A_256 = tpu.vector_load_idx %gather3A_255[%add3A_250, %get3A_162] : memref<2048x8xf32, #tpu.memory_space<vmem>>[vector<16xi32>, vector<16xi32>], vector<16xf32>,
        %add3A_257 = vector.broadcast %mul3A_157 : i32 to vector<16xi32>
        %add3A_258 = arith.addi %add3A_257, %iota3A : vector<16xi32>
        %add3A_259 = arith.constant 1 : i32
        %add3A_260 = vector.broadcast %add3A_259 : i32 to vector<16xi32>
        %add3A_261 = arith.addi %get3A_162, %add3A_260 : vector<16xi32>
        %gather3A_262 = arith.constant 3 : i32
        %gather3A_263 = arith.constant 0 : i32
        %gather3A_264 = arith.constant 0 : i32
        %gather3A_265 = tpu.memref_slice %arg12[%gather3A_262, %gather3A_263, %gather3A_264] : memref<4x2048x8xf32, #tpu.memory_space<vmem>> -> memref<1x2048x8xf32, #tpu.memory_space<vmem>>
        %gather3A_266 = tpu.memref_squeeze %gather3A_265 : memref<1x2048x8xf32, #tpu.memory_space<vmem>> -> memref<2048x8xf32, #tpu.memory_space<vmem>>
        %gather3A_267 = tpu.vector_load_idx %gather3A_266[%add3A_258, %add3A_261] : memref<2048x8xf32, #tpu.memory_space<vmem>>[vector<16xi32>, vector<16xi32>], vector<16xf32>,
        %get3A_268 = arith.constant 3 : i32
        %get3A_269 = arith.index_cast %get3A_268 : i32 to index
        %get3A_270 = arith.index_cast %mul3A_157 : i32 to index
        %get3A_271 = tpu.vector_load %arg10[%get3A_269, %get3A_270] {strides = array<i32>} : memref<5x2048xf32, #tpu.memory_space<vmem>>, vector<16xf32>,
        %sub3A_272 = arith.subf %gather3A_267, %gather3A_256 : vector<16xf32>
        %mul3A_273 = arith.mulf %get3A_160, %sub3A_272 : vector<16xf32>
        %add3A_274 = arith.addf %gather3A_256, %mul3A_273 : vector<16xf32>
        %mul3A_275 = arith.mulf %get3A_271, %add3A_274 : vector<16xf32>
        %add3A_276 = arith.addf %add3A_248, %mul3A_275 : vector<16xf32>
        %swap3A = arith.index_cast %mul3A_157 : i32 to index
        %swap3A_277 = tpu.vector_load %arg13[%swap3A] {strides = array<i32>} : memref<2048xf32, #tpu.memory_space<vmem>>, vector<16xf32>,
        tpu.vector_store %arg13[%swap3A], %add3A_276 {strides = array<i32>} : memref<2048xf32, #tpu.memory_space<vmem>>, vector<16xf32>,
      }
      %scan3A_154 = arith.constant 128 : i32
      "tpu.region"() ({
        %run_scoped3A = tpu.sem_alloc : memref<!tpu.dma_semaphore, #tpu.memory_space<semaphore_mem>>
        %dma_start3A = tpu.memref_slice %arg4[%add3A_36] : memref<4194304xf32, #tpu.memory_space<hbm>> -> memref<2048xf32, #tpu.memory_space<hbm>>
        %dma_start3A_155 = tpu.memref_slice %arg4[%add3A_36] : memref<4194304xf32, #tpu.memory_space<hbm>> -> memref<2048xf32, #tpu.memory_space<hbm>>
        tpu.enqueue_dma source(%arg13 : memref<2048xf32, #tpu.memory_space<vmem>>) target(%dma_start3A_155 : memref<2048xf32, #tpu.memory_space<hbm>>) target_semaphore(%run_scoped3A : memref<!tpu.dma_semaphore, #tpu.memory_space<semaphore_mem>>)
        %dma_wait3A = tpu.memref_slice %arg4[%add3A_36] : memref<4194304xf32, #tpu.memory_space<hbm>> -> memref<2048xf32, #tpu.memory_space<hbm>>
        %dma_wait3A_156 = tpu.memref_slice %arg4[%add3A_36] : memref<4194304xf32, #tpu.memory_space<hbm>> -> memref<2048xf32, #tpu.memory_space<hbm>>
        tpu.wait_dma2 semaphore(%run_scoped3A : memref<!tpu.dma_semaphore, #tpu.memory_space<semaphore_mem>>) src(%arg13 : memref<2048xf32, #tpu.memory_space<vmem>>) dst(%dma_wait3A_156 : memref<2048xf32, #tpu.memory_space<hbm>>)
        tpu.yield
      }) : () -> ()
    }
    %scan3A_32 = arith.constant 64 : i32
    return
  }
}

</mosaic_0001>

<sc_bundles>
// kernel: kernel.3.cloned.1.call-start
scs
__scs_entry_jumppad:
0x0: {  	(pc) =	sbr.rel $0x88, $3  }
0x1: {  	(tag) =	ssettag $0x0;
	lr =	simm.s32 $0x1  }
0x2: {  	[smem:$0x3F9F] =	sst lr;
	_ =	strace $0xD0000000  }
0x3: {  	_ = 	snop  }
0x4: {  	_ = 	snop  }
0x5: {  	_ = 	snop  }
0x6: {  	_ = 	snop  }
0x7: {  	_ = 	snop  }
__scs_overlays_trampoline_lowered:
0x8: {  	[smem:$0x3FAE] =	sst s0  }
0x9: {  	[smem:$0x3FAF] =	sst s1  }
0xa: {  	[smem:$0x3FB0] =	sst s2  }
0xb: {  	[smem:$0x3FB1] =	sst s3  }
0xc: {  	[smem:$0x3FB2] =	sst s4  }
0xd: {  	[smem:$0x3FB3] =	sst s5  }
0xe: {  	[smem:$0x3FB4] =	sst s6  }
0xf: {  	[smem:$0x3FB5] =	sst s7  }
0x10: {  	[smem:$0x3FB6] =	sst s8  }
0x11: {  	[smem:$0x3FB7] =	sst s9;
	s0 =	simm.s32 @!p0 $0x0  }
0x12: {  	s1 =	sld [smem:$0x3F9D];
	s0 =	simm.s32 @p0 $0x1  }
0x13: {  	[smem:$0x3FB8] =	sst s0;
	s0 =	simm.s32 @!p1 $0x0  }
0x14: {  	s2 =	sld [smem:$0x3F9C];
	s0 =	simm.s32 @p1 $0x1  }
0x15: {  	[smem:$0x3FB9] =	sst s0;
	s0 =	simm.s32 @!p2 $0x0  }
0x16: {  	s3 =	sld [smem:$0x3FDB];
	s0 =	simm.s32 @p2 $0x1  }
0x17: {  	s4 =	simm.s32 $0x1BF5;
	[smem:$0x3FBB] =	sst s0  }
0x18: {  	s0 =	sld [smem:$0x3F9E];
	_ =	swait.ge [sflag:s4], $0x0  }
0x19: {  	s7 =	sld [smem:$0x3F9F]  }
0x1a: {  	s8 =	sadd.s32 $0xFFFFE003, lr  }
0x1b: {  	s9 =	sadd.s32 $0xFFFFFEF7, lr;
	s5 =	simm.s32 $0xFFFFFFFF;
	p2 =	slt.u32 s8, $0xFFFFF086  }
0x1c: {  	p1 =	slt.u32 s9, $0xF7A;
	s5 =	simm.s32 @!p2 $0x0  }
0x1d: {  	s5 =	simm.s32 @p1 $0x1;
	p0 =	seq.s32 s7, s2  }
0x1e: {  	s7 =	smul.u32 @!p0 $0xF7A, s2;
	p2 =	seq.s32 @!p0 s5, $0x0  }
0x1f: {  	s9 =	smul.u32 $0xF7A, s1;
	s8 =	simm.s32 @!p0 $0x1BF5;
	p2 =	por !p2, p0  }
0x20: {  	[sflag:s8] =	ssyncset.s32 @!p0 $0xFFFFF086;
	s6 =	sadd.s32 @!p0 s3, s7;
	s7 =	simm.s32 @!p0 $0x108  }
0x21: {  	s3 =	sadd.s32 s3, s9;
	s6 =	sadd.s32 @!p0 $0x88, s6;
	s7 =	simm.s32 @p2 $0x1082  }
0x22: {  	[simem:s7], [sflag:s8] =	dma.local @!p0 [hbm:s6], $0xF7A  }
0x23: {  	s9 =	sor.u32 $0xD0000000, s2;
	s6 =	simm.s32 $0x108;
	_ =	swait.ge @!p0 [sflag:s8], $0x0  }
0x24: {  	s3 =	sadd.s32 $0x88, s3;
	s6 =	simm.s32 @!p1 $0x1082;
	[sflag:s4] =	ssyncset.s32 $0xFFFFF086  }
0x25: {  	[simem:s6], [sflag:s4] =	dma.local [hbm:s3], $0xF7A  }
0x26: {  	[smem:$0x3F9F] =	sst s1;
	(tag) =	ssettag s2;
	_ =	strace s9  }
0x27: {  	s1 =	sld [smem:$0x3FAF]  }
0x28: {  	s2 =	sld [smem:$0x3FB0]  }
0x29: {  	s4 =	sld [smem:$0x3FB2]  }
0x2a: {  	p0 =	seq.s32 s5, $0x0;
	s5 =	sld [smem:$0x3FB3]  }
0x2b: {  	s6 =	sld [smem:$0x3FB4]  }
0x2c: {  	s7 =	sld [smem:$0x3FB5]  }
0x2d: {  	s3 =	simm.s32 $0x108;
	s8 =	sld [smem:$0x3FB6]  }
0x2e: {  	s3 =	simm.s32 @!p0 $0x1082;
	s9 =	sld [smem:$0x3FB7]  }
0x2f: {  	lr =	sadd.s32 s0, s3;
	s0 =	sld [smem:$0x3FAE]  }
0x30: {  	s3 =	sld [smem:$0x3FB1]  }
0x31: {  	[smem:$0x3FBA] =	sst s10  }
0x32: {  	s10 =	sld [smem:$0x3FB8];
	_ =	sdelay $0x3  }
0x33: {  	p0 =	seq.s32 s10, $0x1;
	s10 =	sld [smem:$0x3FBA];
	_ =	sdelay $0x3  }
0x34: {  	[smem:$0x3FBA] =	sst s10  }
0x35: {  	s10 =	sld [smem:$0x3FB9];
	_ =	sdelay $0x3  }
0x36: {  	p1 =	seq.s32 s10, $0x1;
	s10 =	sld [smem:$0x3FBA];
	_ =	sdelay $0x3  }
0x37: {  	[smem:$0x3FBA] =	sst s10  }
0x38: {  	s10 =	sld [smem:$0x3FBB]  }
0x39: {  	_ = 	snop;
	(pc) =	sbr.ind lr, $3  }
0x3a: {  	_ = 	snop  }
0x3b: {  	_ = 	snop  }
0x3c: {  	p2 =	seq.s32 s10, $0x1;
	s10 =	sld [smem:$0x3FBA]  }
0x3d: {  	_ =	shalt  }
0x3e: {  	_ =	shalt  }
0x3f: {  	_ =	shalt  }
0x40: {  	_ =	shalt  }
0x41: {  	_ =	shalt  }
0x42: {  	_ =	shalt  }
0x43: {  	_ =	shalt  }
0x44: {  	_ =	shalt  }
0x45: {  	_ =	shalt  }
0x46: {  	_ =	shalt  }
0x47: {  	_ =	shalt  }
0x48: {  	_ =	shalt  }
0x49: {  	_ =	shalt  }
0x4a: {  	_ =	shalt  }
0x4b: {  	_ =	shalt  }
0x4c: {  	_ =	shalt  }
0x4d: {  	_ =	shalt  }
0x4e: {  	_ =	shalt  }
0x4f: {  	_ =	shalt  }
0x50: {  	_ =	shalt  }
0x51: {  	_ =	shalt  }
0x52: {  	_ =	shalt  }
0x53: {  	_ =	shalt  }
0x54: {  	_ =	shalt  }
0x55: {  	_ =	shalt  }
0x56: {  	_ =	shalt  }
0x57: {  	_ =	shalt  }
0x58: {  	_ =	shalt  }
0x59: {  	_ =	shalt  }
0x5a: {  	_ =	shalt  }
0x5b: {  	_ =	shalt  }
0x5c: {  	_ =	shalt  }
0x5d: {  	_ =	shalt  }
0x5e: {  	_ =	shalt  }
0x5f: {  	_ =	shalt  }
0x60: {  	_ =	shalt  }
0x61: {  	_ =	shalt  }
0x62: {  	_ =	shalt  }
0x63: {  	_ =	shalt  }
0x64: {  	_ =	shalt  }
0x65: {  	_ =	shalt  }
0x66: {  	_ =	shalt  }
0x67: {  	_ =	shalt  }
0x68: {  	_ =	shalt  }
0x69: {  	_ =	shalt  }
0x6a: {  	_ =	shalt  }
0x6b: {  	_ =	shalt  }
0x6c: {  	_ =	shalt  }
0x6d: {  	_ =	shalt  }
0x6e: {  	_ =	shalt  }
0x6f: {  	_ =	shalt  }
0x70: {  	_ =	shalt  }
0x71: {  	_ =	shalt  }
0x72: {  	_ =	shalt  }
0x73: {  	_ =	shalt  }
0x74: {  	_ =	shalt  }
0x75: {  	_ =	shalt  }
0x76: {  	_ =	shalt  }
0x77: {  	_ =	shalt  }
0x78: {  	_ =	shalt  }
0x79: {  	_ =	shalt  }
0x7a: {  	_ =	shalt  }
0x7b: {  	_ =	shalt  }
0x7c: {  	_ =	shalt  }
0x7d: {  	_ =	shalt  }
0x7e: {  	_ =	shalt  }
0x7f: {  	_ =	shalt  }
0x80: {  	_ =	shalt  }
0x81: {  	_ =	shalt  }
0x82: {  	_ =	shalt  }
0x83: {  	_ =	shalt  }
0x84: {  	_ =	shalt  }
0x85: {  	_ =	shalt  }
0x86: {  	_ =	shalt  }
0x87: {  	_ =	shalt  }
.Lfunc_end0:
.L_simem_size_0:
called_computation_lowered:
.L_overlay_start_0:
0x88: {  	s2 =	sld [smem:$0x3FD9]  }
0x89: {  	s3 =	sld [smem:$0x3FFE];
	_ =	sdelay $0x1  }
0x8a: {  	s1 =	srdreg.scid  }
0x8b: {  	s0 =	sand.u32 $0x1, s1  }
0x8c: {  	s18 =	sshll.u32 s0, $0xA;
	s2 =	sadd.s32 s3, s2  }
0x8d: {  	s3 =	sadd.s32 s2, s18  }
0x8e: {  	[smem:$0x3FC6] =	sst s3  }
0x8f: {  	_ = 	snop  }
0x90: {  	s3 =	sld [smem:$0x3FC9]  }
0x91: {  	s4 =	sld [smem:$0x3FD0];
	(tm) =	ssettm $0x1  }
0x92: {  	s5 =	sld [smem:$0x3FFB];
	_ =	sdelay $0x3  }
0x93: {  	_ =	strace s5  }
0x94: {  	s5 =	sld [smem:$0x3FFC];
	_ =	sdelay $0x3  }
0x95: {  	_ =	strace s5  }
0x96: {  	s5 =	sld [smem:$0x3FFD];
	_ =	sdelay $0x3  }
0x97: {  	_ =	strace s5  }
0x98: {  	_ =	strace $0x8FFFFFFF  }
0x99: {  	s19 =	sld [smem:$0x3FDB];
	_ =	sdelay $0x1  }
0x9a: {  	s6 =	simm.s32 $_scs_section_size  }
0x9b: {  	s7 =	simm.s32 $_size__tile_overlayer_lowered;
	s8 =	simm.s32 $_tile_overlayer_lowered  }
0x9c: {  	s22 =	simm.s32 $0x1BFF;
	s21 =	sshll.u32 s8, $0x1;
	s5 =	sadd.s32 s6, s19  }
0x9d: {  	s9 =	simm.s32 $0x0;
	s20 =	sshll.u32 s7, $0x1;
	s7 =	sadd.s32 s21, s5  }
0x9e: {  	[timem:s9], [sflag:s22] =	dma.local [hbm:s7], s20  }
0x9f: {  	_ =	swait.ge [sflag:s22], s20  }
0xa0: {  	s6 =	ssub.s32 $0x0, s20;
	[sflag:s22] =	ssyncset.done $0x0  }
0xa1: {  	[sflag:s22] =	ssyncadd.s32 s6;
	_ =	sdelay $0x1  }
0xa2: {  	s23 =	simm.s32 $0x1B8B  }
0xa3: {  	_ =	swait.ge [sflag:s23], $0x1  }
0xa4: {  	[sflag:s23] =	ssyncset.done $0x0  }
0xa5: {  	s25 =	simm.s32 $0x1B8E;
	s24 =	sld [smem:$0x3FFE];
	[sflag:s23] =	ssyncadd.s32 $0xFFFFFFFF  }
0xa6: {  	s26 =	simm.s32 $execute0_lowered;
	[smem:$0x3FD2] =	sst s25  }
0xa7: {  	s7 =	sshll.u32 s26, $0x1;
	_ =	strace $0x80000046;
	[dreg:$0x1] =	wrdreg $0xFFFFFFFF  }
0xa8: {  	s28 =	simm.s32 $_size_execute0_lowered;
	s5 =	sadd.s32 s5, s7;
	[dreg:$0x0] =	wrdreg $0x0  }
0xa9: {  	s7 =	sshll.u32 s28, $0x1;
	[dreg:$0x2] =	wrdreg s5  }
0xaa: {  	[dreg:$0x3] =	wrdreg s7  }
0xab: {  	[dreg:$0x4] =	wrdreg $0xC0  }
0xac: {  	_ =	task [dreg:s9], $0x5FFFF  }
0xad: {  	[dreg:$0x1] =	wrdreg $0xFFFFFFFF  }
0xae: {  	[dreg:$0x0] =	wrdreg $0x60  }
0xaf: {  	[dreg:$0x2] =	wrdreg s3  }
0xb0: {  	[dreg:$0x3] =	wrdreg s24  }
0xb1: {  	s2 =	sadd.s32 $0x800, s2;
	[dreg:$0x4] =	wrdreg s4  }
0xb2: {  	[dreg:$0x5] =	wrdreg s2  }
0xb3: {  	[dreg:$0x6] =	wrdreg $0x9  }
0xb4: {  	_ =	task.clear_ibuf [dreg:s9], $0x7FFFF;
	_ =	strace $0x90000046  }
0xb5: {  	s29 =	simm.s32 $0x9;
	_ =	strace $0x80000048  }
0xb6: {  	_ =	swait.ge [sflag:s29], $0x1  }
0xb7: {  	[sflag:s29] =	ssyncadd.s32 $0xFFFFFFFF  }
0xb8: {  	_ =	strace $0x90000048  }
0xb9: {  	_ =	sfence  }
0xba: {  	s30 =	sld [smem:$0x0];
	_ =	sdelay $0x2  }
0xbb: {  	s31 =	sshll.u32 s1, $0xD;
	s1 =	sshrl.u32 s1, $0x2  }
0xbc: {  	s3 =	sand.u32 $0x4000, s31;
	s1 =	sadd.s32 s1, s30  }
0xbd: {  	s0 =	sor.u32 s3, s0;
	s1 =	sshll.u32 s1, $0x11  }
0xbe: {  	s0 =	sor.u32 s1, s0  }
0xbf: {  	s0 =	sadd.s32 $0x8F2B, s0  }
0xc0: {  	[sflag:s0] =	ssyncadd.remote.s32 $0x1  }
0xc1: {  	_ =	sfence.sel $0xFFFF  }
0xc2: {  	[dreg:$0x0] =	wrdreg $0xFFFFFFFF;
	(pc) =	sbr.abs _section_cstart, $3  }
0xc3: {  	[dreg:$0x1] =	wrdreg $0xFFFFFFFF  }
0xc4: {  	_ =	task.clear_ibuf [dreg:s9], $0x2FFFF;
	_ =	strace $0x9FFFFFFF  }
0xc5: {  	(tm) =	ssettm $0x7FFFFFFF  }
tec
execute0_lowered:
.L_overlay_start_1:
0x0: {  	(tag) =	ssettag $0x1  }
0x1: {  	v0 =	vimm.s32 $0xBA987654  }
0x2: {  	v1 =	vimm.s32 $0x76543210;
	v2 =	vimm.s32 $0x32107654;
	v0 =	vunpack.c.l.s4.s8 v0  }
0x3: {  	v1 =	vunpack.c.l.s4.s8 v1;
	v2 =	vunpack.c.l.s4.s8 v2  }
0x4: {  	vm0 =	vcmask $0x300;
	v14 =	vlaneseq.u32;
	v0 =	vunpack.c.0.s8.s32 v0  }
0x5: {  	vm14 =	vcmask $0x704;
	v3 =	vunpack.c.0.s8.s32 v1;
	v2 =	vunpack.c.0.s8.s32 v2  }
0x6: {  	vm15 =	vcmask $0xB08;
	vm4 =	vcmask $0xF0C;
	v1 =	vand.u32 $0xF, v0  }
0x7: {  	v2 =	vcombine.low v3, v2;
	v1 =	vcombine.low v3, v1;
	v3 =	vimm.f32 $1.500000000e+01  }
0x8: {  	vm5 =	vcmask $0x1310;
	v6 =	vimm.s32 $0x52741630;
	v3 =	vsel vm0, $0x0, v3  }
0x9: {  	s7 =	rddreg [dreg:$0x0];
	vm6 =	vcmask $0x1714;
	vm7 =	vcmask $0x1B18;
	v5 =	vsel vm14, $0x3F800000, v3  }
0xa: {  	s3 =	stileid.u32;
	s30 =	rddreg [dreg:$0x1];
	vm8 =	vcmask $0x1F1C;
	vm9 =	vcmask $0x2320;
	v5 =	vsel vm15, $0x40000000, v5  }
0xb: {  	s8 =	rddreg [dreg:$0x3];
	s6 =	simm.s32 $0x0;
	s1 =	srdreg.scid;
	vm10 =	vcmask $0x2724;
	v9 =	vimm.s32 $0x63052741;
	v5 =	vsel vm4, $0x40400000, v5  }
0xc: {  	vm11 =	vcmask $0x2B28;
	vm12 =	vcmask $0x2F2C;
	s11 =	simm.s32 $0x2;
	s10 =	simm.s32 $0x2000;
	s13 =	simm.s32 $0x2080;
	v5 =	vsel vm5, $0x40800000, v5  }
0xd: {  	v10 =	vimm.s32 $0x74163052;
	vm13 =	vcmask $0x3330;
	s15 =	simm.s32 $0x6080;
	s16 =	simm.s32 $0x1;
	s17 =	simm.s32 $0x80;
	v7 =	vsel vm6, $0x40A00000, v5  }
0xe: {  	s18 =	simm.s32 $0xC880;
	s19 =	simm.s32 $0x10880;
	s20 =	simm.s32 $0x14880;
	v12 =	vimm.s32 $0x0;
	v13 =	vimm.f32 $0.0e+00;
	v7 =	vsel vm7, $0x40C00000, v7  }
0xf: {  	s21 =	simm.s32 $0x18880;
	s5 =	sshll.u32 s3, $0x12;
	v6 =	vunpack.c.l.s4.s8 v6;
	[smem:$0x7FF] =	sst s6;
	v10 =	vunpack.c.l.s4.s8 v10;
	v8 =	vsel vm8, $0x40E00000, v7  }
0x10: {  	v4 =	vshrl.u32 v14, $0x3;
	s1 =	sand.u32 $0x1, s1;
	s3 =	sshll.u32 s3, $0x10;
	v9 =	vunpack.c.l.s4.s8 v9;
	s0 =	sand.u32 $0x200000, s5;
	v8 =	vsel vm9, $0x41000000, v8  }
0x11: {  	s31 =	ssub.s32 $0x2, s1;
	s4 =	sshll.u32 s1, $0x14;
	s1 =	sshll.u32 s1, $0x11;
	v6 =	vunpack.c.0.s8.s32 v6;
	v10 =	vunpack.c.0.s8.s32 v10;
	v8 =	vsel vm10, $0x41100000, v8  }
0x12: {  	_ =	strace $0x80000047;
	[dreg:$0x5] =	wrdreg s5;
	s1 =	sor.u32 s5, s1;
	v0 =	vmov s0;
	v3 =	vmul.u32 $0x8, v4;
	v8 =	vsel vm11, $0x41200000, v8  }
0x13: {  	s2 =	sshrl.u32 s31, $0x1;
	[dreg:$0x8] =	wrdreg s1;
	s0 =	sadd.s32 $0x4000400, s30;
	v4 =	vand.u32 $0x7, v14;
	v5 =	vmul.u32 $0x3, v14;
	v8 =	vsel vm12, $0x41300000, v8  }
0x14: {  	s9 =	sor.u32 s3, s4;
	[dreg:$0x6] =	wrdreg s0;
	s0 =	ssub.s32 s31, s2;
	vm14 =	vcmask $0x3734;
	vm15 =	vcmask $0x3B38;
	v11 =	vsel vm13, $0x41400000, v8  }
0x15: {  	s24 =	simm.s32 $0x0;
	[dreg:$0x7] =	wrdreg s9;
	s0 =	smax.u32 s0, $0x1;
	v14 =	vmul.u32 $0x8, v14;
	v7 =	vadd.s32 $0x1, v5;
	v11 =	vsel vm14, $0x41500000, v11  }
0x16: {  	s14 =	sadd.s32 s4, s8;
	s1 =	simm.s32 $0x0;
	[dreg:$0x9] =	wrdreg s0;
	v8 =	vunpack.c.0.s8.s32 v9;
	v9 =	vadd.s32 $0x2, v5;
	v11 =	vsel vm15, $0x41600000, v11  }
.LBB2_1:
0x17: {  	[dreg:$0xa] =	wrdreg s1;
	s0 =	simm.s32 $0x0  }
.LBB2_2:
0x18: {  	s1 =	sshll.u32 s0, $0xD  }
0x19: {  	s2 =	sadd.s32 s5, s1  }
0x1a: {  	s1 =	sshrl.u32 s2, $0x3  }
0x1b: {  	s2 =	smin.u32 s2, $0x3FDFF8;
	s3 =	sadd.s32 s7, s1;
	s1 =	simm.s32 $0x0  }
0x1c: {  	[tilespmem:s1], [sflag:$0x2] =	stream.linear.gather [hbm4b:s3+s1], $0x2000, $0x38;
	[tilespmem:$0x1D080] =	vst v63  }
0x1d: {  	s2 =	sshrl.u32 s2, $0x3;
	v15 =	vadd.s32 s1, v1;
	_ =	swait.ge [sflag:s11], $0x2000  }
0x1e: {  	s2 =	sadd.s32 s7, s2;
	v15 =	vand.u32 $0x3FF8, v15;
	[sflag:s11] =	ssyncset.done $0x0  }
0x1f: {  	s2 =	sadd.s32 $0x400, s2;
	v15 =	vor.u32 v2, v15;
	[sflag:s11] =	ssyncadd.s32 $0xFFFFE000  }
0x20: {  	[tilespmem:s10], [sflag:$0x2] =	stream.linear.gather [hbm4b:s2+s1], $0x8, $0x38;
	[tilespmem:$0x1D080] =	vst v63  }
0x21: {  	_ =	swait.ge [sflag:s11], $0x8  }
0x22: {  	v16 =	vmov s1;
	[sflag:s11] =	ssyncset.done $0x0  }
0x23: {  	s31 =	simm.s32 $0x8;
	v17 =	vshll.u32 v16, $0x3;
	[sflag:s11] =	ssyncadd.s32 $0xFFFFFFF8  }
0x24: {  	v16 =	vadd.s32 s31, v1;
	v17 =	vor.u32 v3, v17;
	s2 =	simm.s32 $0x10;
	v15 =	vld.idx.msk [tilespmem:v15+s6+$0x0], $0xffff  }
.LBB2_3:
0x25: {  	p0 =	sne.s32 s2, $0x1FF8;
	v16 =	vand.u32 $0x3FF8, v16;
	v17 =	vor.u32 v4, v17  }
0x26: {  	v18 =	vor.u32 v2, v16  }
.Ltmp0:
0x27: {  	(pc) =	sbr.rel @p0 .LBB2_3-.Ltmp0, $4  }
0x28: {  	s1 =	sadd.s32 $0x2, s1  }
0x29: {  	v16 =	vmov s1  }
0x2a: {  	v19 =	vshll.u32 v16, $0x3;
	[tilespmem:v17+s13+$0x0] =	vst.idx.msk $0xffff, v15  }
0x2b: {  	v16 =	vadd.s32 s2, v1;
	s2 =	sadd.s32 $0x8, s2;
	v17 =	vor.u32 v3, v19;
	v15 =	vld.idx.msk [tilespmem:v18+s6+$0x0], $0xffff  }
0x2c: {  	v16 =	vand.u32 $0x3FF8, v16;
	v17 =	vor.u32 v4, v17  }
0x2d: {  	v16 =	vor.u32 v2, v16  }
0x2e: {  	s1 =	sadd.s32 $0x2, s1  }
0x2f: {  	v18 =	vmov s1  }
0x30: {  	v18 =	vshll.u32 v18, $0x3  }
0x31: {  	[tilespmem:v17+s13+$0x0] =	vst.idx.msk $0xffff, v15;
	v15 =	vor.u32 v3, v18  }
0x32: {  	v16 =	vld.idx.msk [tilespmem:v16+s6+$0x0], $0xffff;
	v15 =	vor.u32 v4, v15;
	_ =	sdelay $0x2  }
0x33: {  	s31 =	sshll.u32 s0, $0xB;
	s0 =	sadd.s32 $0x1, s0  }
0x34: {  	s1 =	sadd.s32 s31, s9;
	p0 =	sne.s32 s0, $0x20  }
.Ltmp1:
0x35: {  	s1 =	sadd.s32 s8, s1;
	[tilespmem:v15+s13+$0x0] =	vst.idx.msk $0xffff, v16;
	(pc) =	sbr.rel @p0 .LBB2_2-.Ltmp1, $4  }
0x36: {  	[hbm4b:s1+s6] =	stream.linear.scatter [tilespmem:s13], [sflag:$0x2], $0x4000, $0x38;
	[tilespmem:$0x1D080] =	vst v63  }
0x37: {  	_ =	swait.ge [sflag:s11], $0x4000  }
0x38: {  	[sflag:s11] =	ssyncset.done $0x0  }
0x39: {  	[sflag:s11] =	ssyncadd.s32 $0xFFFFC000  }
0x3a: {  	[bflag:$0x0] =	sbarrier.arrive $0xFFFF;
	s25 =	simm.s32 $0x0  }
.LBB2_6:
0x3b: {  	s0 =	sshll.u32 s25, $0xB;
	s1 =	rddreg [dreg:$0x8]  }
0x3c: {  	s26 =	sadd.s32 s1, s0  }
0x3d: {  	s0 =	smul.u32 $0x3, s26  }
0x3e: {  	s7 =	rddreg [dreg:$0x6];
	s8 =	sand.u32 $0x7, s25;
	v16 =	vadd.s32 s24, v7  }
0x3f: {  	v17 =	vadd.s32 s24, v5;
	p1 =	sne.s32 s8, $0x0;
	v16 =	vand.u32 $0x3FF8, v16;
	p0 =	seq.s32 s26, $0x0;
	s0 =	sshrl.u32 s0, $0x3  }
0x40: {  	v17 =	vand.u32 $0x3FF8, v17;
	v16 =	vor.u32 v8, v16;
	p0 =	por !p1, !p0;
	s0 =	sadd.s32 s7, s0  }
0x41: {  	v18 =	vadd.s32 s24, v9;
	v17 =	vor.u32 v6, v17;
	[tilespmem:s15], [sflag:$0x2] =	stream.linear.gather [hbm4b:s0+s24], $0x1800, $0x38;
	[tilespmem:$0x1D080] =	vst v63  }
0x42: {  	v18 =	vand.u32 $0x3FF8, v18;
	p0 =	por !p0, !p0;
	s0 =	simm.s32 $0x1;
	_ =	swait.ge [sflag:s11], $0x1800  }
0x43: {  	s9 =	sshrl.u32 s26, $0xE;
	v18 =	vor.u32 v10, v18;
	s0 =	simm.s32 @!p0 $0x0;
	[sflag:s11] =	ssyncset.done $0x0  }
0x44: {  	s0 =	ssub.s32 s9, s0;
	[sflag:s11] =	ssyncadd.s32 $0xFFFFE800  }
0x45: {  	s0 =	sand.u32 $0x7F, s0;
	v16 =	vld.idx.msk [tilespmem:v16+s15+$0x0], $0xffff  }
0x46: {  	s10 =	sshll.u32 s25, $0x4;
	s0 =	scvt.s32.f32 s0;
	v17 =	vld.idx.msk [tilespmem:v17+s15+$0x0], $0xffff  }
0x47: {  	s12 =	sand.u32 $0x70, s24;
	s22 =	simm.s32 $0x0;
	s28 =	sand.u32 $0x70, s10  }
0x48: {  	s2 =	scvt.s32.f32 s12;
	v18 =	vld.idx.msk [tilespmem:v18+s15+$0x0], $0xffff;
	v15 =	vmov s0;
	s0 =	sor.u32 s28, s22  }
0x49: {  	s3 =	scvt.s32.f32 s0  }
0x4a: {  	v19 =	vadd.f32 s2, v11;
	s0 =	simm.s32 $0x30  }
0x4b: {  	v20 =	vadd.s32 s0, v5;
	v16 =	vadd.f32 s3, v16;
	v17 =	vadd.f32 v17, v15  }
0x4c: {  	v21 =	vadd.s32 s0, v7;
	v20 =	vand.u32 $0x3FF8, v20  }
0x4d: {  	v22 =	vadd.f32 v18, v19;
	v18 =	vtrunc.f32 v16;
	v19 =	vtrunc.f32 v17  }
0x4e: {  	v23 =	vcvt.f32.s32 v18;
	v24 =	vcvt.f32.s32 v19;
	vm0 =	vlt.f32 v16, v18  }
0x4f: {  	vm1 =	vlt.f32 v17, v19;
	v18 =	vtrunc.f32 v22;
	v19 =	vsel vm0, $0xFFFFFFFF, v12  }
0x50: {  	v25 =	vsel vm1, $0xFFFFFFFF, v12;
	v26 =	vcvt.f32.s32 v18;
	vm0 =	vlt.f32 v22, v18  }
0x51: {  	v19 =	vadd.s32 v23, v19;
	v23 =	vadd.s32 v24, v25;
	v18 =	vsel vm0, $0xFFFFFFFF, v12  }
0x52: {  	vm0 =	vgt.s32 v23, $0x0;
	v24 =	vadd.s32 $0x1, v23;
	v56 =	vadd.s32 v26, v18  }
0x53: {  	v57 =	vadd.s32 $0x1, v19;
	vm2 =	vgt.s32 v19, $0x0;
	vm1 =	vgt.s32 v24, $0x0  }
0x54: {  	v18 =	vnsel vm0, $0x0, v23;
	vm0 =	vgt.s32 v56, $0x0;
	v29 =	vnsel vm2, $0x0, v19  }
0x55: {  	v19 =	vcvt.s32.f32 v19;
	v23 =	vcvt.s32.f32 v23;
	v24 =	vnsel vm1, $0x0, v24  }
0x56: {  	v18 =	vmin.u32 v18, $0x7F;
	v27 =	vnsel vm0, $0x0, v56;
	vm0 =	vgt.s32 v57, $0x0  }
0x57: {  	v24 =	vmin.u32 v24, $0x7F;
	v28 =	vshll.u32 v18, $0xE;
	v18 =	vmin.u32 v27, $0x7E  }
0x58: {  	v26 =	vnsel vm0, $0x0, v57;
	v19 =	vsub.f32 v16, v19;
	v16 =	vmin.u32 v29, $0x7F  }
0x59: {  	v23 =	vsub.f32 v17, v23;
	v27 =	vor.u32 v0, v18;
	v26 =	vmin.u32 v26, $0x7F  }
0x5a: {  	s23 =	simm.s32 $0x0;
	v24 =	vshll.u32 v24, $0xE;
	v28 =	vor.u32 v28, v27;
	v26 =	vshll.u32 v26, $0x7  }
0x5b: {  	s2 =	sand.u32 $0x3FFFFF80, s23;
	v16 =	vshll.u32 v16, $0x7;
	v24 =	vor.u32 v24, v27;
	v17 =	vor.u32 v26, v28  }
0x5c: {  	s1 =	sor.u32 s12, s2;
	v58 =	vsub.f32 $1.000000000e+00, v19;
	v59 =	vor.u32 v16, v24;
	v17 =	vshrl.u32 v17, $0x2  }
0x5d: {  	v30 =	vsub.f32 $1.000000000e+00, v23;
	v61 =	vor.u32 v16, v28;
	v60 =	vshrl.u32 v59, $0x2;
	[tilespmem:s1+$0x8080] =	vst v17  }
0x5e: {  	v16 =	vor.u32 v6, v20;
	v20 =	vshrl.u32 v61, $0x2;
	v17 =	vor.u32 v26, v24;
	[tilespmem:s1+$0x8880] =	vst v60  }
0x5f: {  	s29 =	simm.s32 $0xC080;
	s30 =	simm.s32 $0xA880;
	v21 =	vand.u32 $0x3FF8, v21;
	v62 =	vmul.f32 v58, v30;
	[tilespmem:s1+$0x7880] =	vst v20;
	v17 =	vshrl.u32 v17, $0x2  }
0x60: {  	s31 =	simm.s32 $0xA890;
	s5 =	simm.s32 $0x10;
	s4 =	simm.s32 $0xC090;
	v63 =	vmul.f32 v30, v19;
	[tilespmem:s1+$0x9080] =	vst v17;
	v17 =	vor.u32 v8, v21;
	v21 =	vcvt.s32.f32 v56  }
0x61: {  	s10 =	simm.s32 $0x1;
	s23 =	sand.u32 $0x70, s5;
	s12 =	simm.s32 $0xC090;
	vm1 =	vgt.s32 v56, $0x7E;
	vm0 =	vgt.u32 v56, $0x7E;
	v19 =	vmul.f32 v19, v23;
	[tilespmem:s30+$0xFFFFF000] =	vst v62  }
0x62: {  	s22 =	simm.s32 $0x2;
	s3 =	scvt.s32.f32 s23;
	v20 =	vmul.f32 v58, v23;
	s1 =	simm.s32 $0xA8A0;
	[tilespmem:s30+$0xFFFFF800] =	vst v63;
	v21 =	vsub.f32 v22, v21;
	v22 =	vsel vm1, $0x3F800000, v13  }
.LBB2_7:
0x63: {  	v23 =	vadd.s32 s0, v9;
	s0 =	sadd.s32 $0x30, s0  }
0x64: {  	s12 =	sadd.s32 $0x10, s12;
	s5 =	sadd.s32 $0x10, s5;
	[tilespmem:s30+$0x0] =	vst v20;
	s7 =	smov.u32 s22  }
0x65: {  	p0 =	seq.s32 s22, $0x7F;
	s22 =	sadd.s32 $0x1, s22;
	v21 =	vsel vm0, v22, v21;
	s2 =	sand.u32 $0x70, s5;
	v20 =	vand.u32 $0x3FF8, v23;
	[tilespmem:s30+$0x800] =	vst v19  }
0x66: {  	v18 =	vand.u32 $0x3, v18;
	s8 =	scvt.s32.f32 s2;
	v19 =	vor.u32 v10, v20;
	[tilespmem:s30+$0x1000] =	vst v21;
	s30 =	smov.u32 s31;
	s31 =	smov.u32 s1  }
0x67: {  	[tilespmem:s29+$0x0] =	vst v18;
	s29 =	smov.u32 s4;
	s4 =	smov.u32 s12  }
0x68: {  	v18 =	vld.idx.msk [tilespmem:v17+s15+$0x0], $0xffff  }
0x69: {  	v20 =	vld.idx.msk [tilespmem:v16+s15+$0x0], $0xffff;
	_ =	sdelay $0x1  }
0x6a: {  	s9 =	sshrl.u32 s10, $0x3;
	v19 =	vld.idx.msk [tilespmem:v19+s15+$0x0], $0xffff  }
0x6b: {  	s9 =	sor.u32 s28, s9;
	v17 =	vadd.s32 s0, v7;
	v16 =	vadd.s32 s0, v5  }
0x6c: {  	s9 =	scvt.s32.f32 s9;
	v17 =	vand.u32 $0x3FF8, v17;
	v16 =	vand.u32 $0x3FF8, v16  }
0x6d: {  	v21 =	vadd.f32 s3, v11;
	s3 =	smov.u32 s8;
	v17 =	vor.u32 v8, v17;
	v16 =	vor.u32 v6, v16  }
0x6e: {  	v22 =	vadd.f32 s9, v18;
	v20 =	vadd.f32 v20, v15;
	_ =	sdelay $0x1  }
0x6f: {  	v18 =	vtrunc.f32 v22;
	v21 =	vadd.f32 v19, v21;
	v19 =	vtrunc.f32 v20  }
0x70: {  	v23 =	vcvt.f32.s32 v18;
	v24 =	vcvt.f32.s32 v19  }
0x71: {  	vm0 =	vlt.f32 v22, v18;
	vm1 =	vlt.f32 v20, v19;
	v18 =	vtrunc.f32 v21  }
0x72: {  	v19 =	vsel vm0, $0xFFFFFFFF, v12;
	v25 =	vsel vm1, $0xFFFFFFFF, v12;
	v26 =	vcvt.f32.s32 v18  }
0x73: {  	v19 =	vadd.s32 v23, v19;
	v23 =	vadd.s32 v24, v25;
	vm0 =	vlt.f32 v21, v18  }
0x74: {  	v18 =	vsel vm0, $0xFFFFFFFF, v12;
	vm0 =	vgt.s32 v23, $0x0;
	v24 =	vadd.s32 $0x1, v23  }
0x75: {  	v25 =	vadd.s32 v26, v18;
	v26 =	vadd.s32 $0x1, v19;
	vm1 =	vgt.s32 v24, $0x0  }
0x76: {  	vm2 =	vgt.s32 v19, $0x0;
	v18 =	vnsel vm0, $0x0, v23;
	v24 =	vnsel vm1, $0x0, v24  }
0x77: {  	v18 =	vmin.u32 v18, $0x7F;
	vm0 =	vgt.s32 v25, $0x0;
	v24 =	vmin.u32 v24, $0x7F  }
0x78: {  	v27 =	vnsel vm0, $0x0, v25;
	v28 =	vshll.u32 v18, $0xE;
	v24 =	vshll.u32 v24, $0xE  }
0x79: {  	v29 =	vnsel vm2, $0x0, v19;
	vm0 =	vgt.s32 v26, $0x0;
	v18 =	vmin.u32 v27, $0x7E  }
0x7a: {  	v19 =	vcvt.s32.f32 v19;
	v23 =	vcvt.s32.f32 v23;
	v27 =	vor.u32 v0, v18  }
0x7b: {  	v26 =	vnsel vm0, $0x0, v26;
	v28 =	vor.u32 v28, v27;
	v24 =	vor.u32 v24, v27  }
0x7c: {  	v22 =	vsub.f32 v22, v19;
	v19 =	vmin.u32 v29, $0x7F;
	v26 =	vmin.u32 v26, $0x7F  }
0x7d: {  	s8 =	sshll.u32 s10, $0x4;
	s10 =	smov.u32 s7;
	v23 =	vsub.f32 v20, v23;
	v19 =	vshll.u32 v19, $0x7;
	v20 =	vshll.u32 v26, $0x7  }
0x7e: {  	s7 =	sand.u32 $0x3FFFFF80, s8;
	v26 =	vsub.f32 $1.000000000e+00, v22;
	v27 =	vor.u32 v19, v28;
	v28 =	vor.u32 v20, v28  }
0x7f: {  	s7 =	sor.u32 s23, s7;
	s23 =	smov.u32 s2;
	v29 =	vsub.f32 $1.000000000e+00, v23;
	v30 =	vor.u32 v19, v24;
	v28 =	vshrl.u32 v28, $0x2  }
0x80: {  	v24 =	vor.u32 v20, v24;
	v19 =	vmul.f32 v22, v23;
	v20 =	vmul.f32 v26, v23;
	[tilespmem:s7+$0x8080] =	vst v28  }
0x81: {  	v23 =	vshrl.u32 v30, $0x2;
	v26 =	vmul.f32 v26, v29;
	v28 =	vmul.f32 v29, v22  }
.Ltmp2:
0x82: {  	v27 =	vshrl.u32 v27, $0x2;
	v22 =	vcvt.s32.f32 v25;
	[tilespmem:s7+$0x8880] =	vst v23;
	v23 =	vshrl.u32 v24, $0x2;
	(pc) =	sbr.rel @!p0 .LBB2_7-.Ltmp2, $4  }
0x83: {  	vm1 =	vgt.s32 v25, $0x7E;
	vm0 =	vgt.u32 v25, $0x7E;
	[tilespmem:s7+$0x9080] =	vst v23  }
0x84: {  	v21 =	vsub.f32 v21, v22;
	v22 =	vsel vm1, $0x3F800000, v13;
	[tilespmem:s7+$0x7880] =	vst v27  }
0x85: {  	[tilespmem:s30+$0xFFFFF000] =	vst v26  }
0x86: {  	s1 =	sadd.s32 $0x10, s1;
	[tilespmem:s30+$0xFFFFF800] =	vst v28  }
0x87: {  	[tilespmem:s30+$0x0] =	vst v20  }
0x88: {  	v21 =	vsel vm0, v22, v21;
	[tilespmem:s30+$0x800] =	vst v19  }
0x89: {  	v23 =	vadd.s32 s0, v9;
	v18 =	vand.u32 $0x3, v18;
	[tilespmem:s30+$0x1000] =	vst v21  }
0x8a: {  	v38 =	vand.u32 $0x3FF8, v23;
	[tilespmem:s29+$0x0] =	vst v18  }
0x8b: {  	v39 =	vor.u32 v10, v38;
	v17 =	vld.idx.msk [tilespmem:v17+s15+$0x0], $0xffff  }
0x8c: {  	v16 =	vld.idx.msk [tilespmem:v16+s15+$0x0], $0xffff  }
0x8d: {  	s9 =	sshrl.u32 s10, $0x3  }
0x8e: {  	s0 =	sor.u32 s28, s9  }
0x8f: {  	s0 =	scvt.s32.f32 s0  }
0x90: {  	v18 =	vld.idx.msk [tilespmem:v39+s15+$0x0], $0xffff  }
0x91: {  	v17 =	vadd.f32 s0, v17;
	v15 =	vadd.f32 v16, v15;
	_ =	sdelay $0x1  }
0x92: {  	v40 =	vadd.f32 s3, v11;
	v42 =	vtrunc.f32 v17;
	v43 =	vtrunc.f32 v15  }
0x93: {  	v44 =	vcvt.f32.s32 v42;
	v45 =	vcvt.f32.s32 v43  }
0x94: {  	vm8 =	vlt.f32 v17, v42;
	vm1 =	vlt.f32 v15, v43;
	v41 =	vadd.f32 v18, v40  }
0x95: {  	v47 =	vsel vm8, $0xFFFFFFFF, v12;
	v48 =	vsel vm1, $0xFFFFFFFF, v12  }
0x96: {  	v50 =	vadd.s32 v44, v47;
	v51 =	vadd.s32 v45, v48;
	v46 =	vtrunc.f32 v41  }
0x97: {  	vm10 =	vgt.s32 v51, $0x0;
	v21 =	vadd.s32 $0x1, v51;
	v53 =	vadd.s32 $0x1, v50  }
0x98: {  	vm2 =	vgt.s32 v50, $0x0;
	v18 =	vcvt.s32.f32 v50;
	v19 =	vcvt.s32.f32 v51  }
0x99: {  	v49 =	vcvt.f32.s32 v46;
	vm9 =	vlt.f32 v41, v46;
	vm11 =	vgt.s32 v21, $0x0  }
0x9a: {  	v54 =	vnsel vm10, $0x0, v51;
	v25 =	vnsel vm2, $0x0, v50;
	v52 =	vsel vm9, $0xFFFFFFFF, v12  }
0x9b: {  	vm13 =	vgt.s32 v53, $0x0;
	v21 =	vnsel vm11, $0x0, v21;
	v20 =	vadd.s32 v49, v52  }
0x9c: {  	v23 =	vmin.u32 v54, $0x7F;
	v22 =	vnsel vm13, $0x0, v53;
	vm12 =	vgt.s32 v20, $0x0  }
0x9d: {  	v17 =	vsub.f32 v17, v18;
	v55 =	vmin.u32 v25, $0x7F;
	v24 =	vnsel vm12, $0x0, v20  }
0x9e: {  	v15 =	vsub.f32 v15, v19;
	v21 =	vmin.u32 v21, $0x7F;
	v24 =	vmin.u32 v24, $0x7E  }
0x9f: {  	v23 =	vshll.u32 v23, $0xE;
	v22 =	vmin.u32 v22, $0x7F;
	v26 =	vor.u32 v0, v24  }
0xa0: {  	s12 =	sshll.u32 s10, $0x4;
	v21 =	vshll.u32 v21, $0xE;
	v22 =	vshll.u32 v22, $0x7;
	v23 =	vor.u32 v23, v26  }
0xa1: {  	s0 =	sand.u32 $0x3FFFFF80, s12;
	v18 =	vshll.u32 v55, $0x7;
	v21 =	vor.u32 v21, v26;
	v56 =	vor.u32 v22, v23  }
0xa2: {  	s0 =	sor.u32 s23, s0;
	v57 =	vsub.f32 $1.000000000e+00, v17;
	v26 =	vor.u32 v18, v21;
	v19 =	vshrl.u32 v56, $0x2  }
0xa3: {  	v58 =	vsub.f32 $1.000000000e+00, v15;
	v21 =	vor.u32 v22, v21;
	v59 =	vshrl.u32 v26, $0x2;
	[tilespmem:s0+$0x8080] =	vst v19  }
0xa4: {  	v18 =	vor.u32 v18, v23;
	v21 =	vshrl.u32 v21, $0x2;
	[tilespmem:s0+$0x8880] =	vst v59  }
0xa5: {  	v61 =	vcvt.s32.f32 v20;
	v60 =	vmul.f32 v57, v58;
	v18 =	vshrl.u32 v18, $0x2;
	[tilespmem:s0+$0x9080] =	vst v21  }
0xa6: {  	v62 =	vmul.f32 v57, v15;
	[tilespmem:s0+$0x7880] =	vst v18  }
0xa7: {  	vm14 =	vgt.s32 v20, $0x7E;
	v15 =	vmul.f32 v17, v15;
	v16 =	vsub.f32 v41, v61;
	[tilespmem:s31+$0xFFFFF000] =	vst v60  }
0xa8: {  	vm15 =	vgt.u32 v20, $0x7E;
	v63 =	vsel vm14, $0x3F800000, v13;
	[tilespmem:s31+$0x0] =	vst v62  }
0xa9: {  	v16 =	vsel vm15, v63, v16;
	v19 =	vmul.f32 v58, v17;
	[tilespmem:s31+$0x800] =	vst v15  }
0xaa: {  	[tilespmem:s31+$0x1000] =	vst v16  }
0xab: {  	v15 =	vand.u32 $0x3, v24;
	[tilespmem:s31+$0xFFFFF800] =	vst v19  }
0xac: {  	s1 =	simm.s32 $0xC880;
	s2 =	simm.s32 $0x7880;
	[tilespmem:s4+$0x0] =	vst v15  }
0xad: {  	[tilespmem:s1], [sflag:$0x1] =	stream.indirect.gather [hbm4b:s14+s17], $0x8, s2, s17, $0xb8;
	[tilespmem:$0x1D080] =	vst v63  }
0xae: {  	s22 =	simm.s32 $0x10880;
	s23 =	simm.s32 $0x8080  }
0xaf: {  	[tilespmem:s22], [sflag:$0x1] =	stream.indirect.gather [hbm4b:s14+s17], $0x8, s23, s17, $0xb8;
	[tilespmem:$0x1D080] =	vst v63  }
0xb0: {  	s28 =	simm.s32 $0x14880;
	s29 =	simm.s32 $0x8880  }
0xb1: {  	[tilespmem:s28], [sflag:$0x1] =	stream.indirect.gather [hbm4b:s14+s17], $0x8, s29, s17, $0xb8;
	[tilespmem:$0x1D080] =	vst v63  }
0xb2: {  	s30 =	simm.s32 $0x18880;
	s31 =	simm.s32 $0x9080  }
0xb3: {  	[tilespmem:s30], [sflag:$0x1] =	stream.indirect.gather [hbm4b:s14+s17], $0x8, s31, s17, $0xb8;
	[tilespmem:$0x1D080] =	vst v63  }
0xb4: {  	_ =	swait.ge [sflag:s16], $0x400  }
0xb5: {  	[sflag:s16] =	ssyncset.done $0x0  }
0xb6: {  	[sflag:s16] =	ssyncadd.s32 $0xFFFFFC00  }
0xb7: {  	_ =	swait.ge [sflag:s16], $0x400  }
0xb8: {  	[sflag:s16] =	ssyncset.done $0x0  }
0xb9: {  	[sflag:s16] =	ssyncadd.s32 $0xFFFFFC00  }
0xba: {  	_ =	swait.ge [sflag:s16], $0x400  }
0xbb: {  	[sflag:s16] =	ssyncset.done $0x0  }
0xbc: {  	[sflag:s16] =	ssyncadd.s32 $0xFFFFFC00  }
0xbd: {  	s3 =	simm.s32 $0x400;
	s0 =	simm.s32 $0x0;
	_ =	swait.ge [sflag:s16], $0x400  }
0xbe: {  	s2 =	simm.s32 $0x80;
	s1 =	simm.s32 $0xCC80;
	[sflag:s16] =	ssyncset.done $0x0  }
.LBB2_9:
0xbf: {  	s4 =	sadd.s32 $0x7880, s2  }
0xc0: {  	[sflag:s16] =	ssyncadd.s32 $0xFFFFFC00;
	s5 =	smov.u32 s3;
	s7 =	sadd.s32 $0x200, s3  }
0xc1: {  	[tilespmem:s1], [sflag:$0x1] =	stream.indirect.gather [hbm4b:s14+s17], $0x8, s4, s17, $0xb8;
	[tilespmem:$0x1D080] =	vst v63  }
0xc2: {  	p0 =	sne.s32 s3, $0x1E00;
	s3 =	sadd.s32 $0x4000, s1;
	s4 =	sadd.s32 $0x8080, s2  }
0xc3: {  	[tilespmem:s3], [sflag:$0x1] =	stream.indirect.gather [hbm4b:s14+s17], $0x8, s4, s17, $0xb8;
	[tilespmem:$0x1D080] =	vst v63  }
0xc4: {  	s3 =	sadd.s32 $0x8000, s1;
	s4 =	sadd.s32 $0x8880, s2  }
0xc5: {  	[tilespmem:s3], [sflag:$0x1] =	stream.indirect.gather [hbm4b:s14+s17], $0x8, s4, s17, $0xb8;
	[tilespmem:$0x1D080] =	vst v63  }
0xc6: {  	s2 =	sadd.s32 $0x9080, s2;
	s3 =	sadd.s32 $0xC000, s1  }
0xc7: {  	[tilespmem:s3], [sflag:$0x1] =	stream.indirect.gather [hbm4b:s14+s17], $0x8, s2, s17, $0xb8;
	[tilespmem:$0x1D080] =	vst v63  }
0xc8: {  	_ =	swait.ge [sflag:s16], $0x400  }
0xc9: {  	[sflag:s16] =	ssyncset.done $0x0  }
0xca: {  	[sflag:s16] =	ssyncadd.s32 $0xFFFFFC00  }
0xcb: {  	_ =	swait.ge [sflag:s16], $0x400  }
0xcc: {  	[sflag:s16] =	ssyncset.done $0x0  }
0xcd: {  	[sflag:s16] =	ssyncadd.s32 $0xFFFFFC00  }
.Ltmp3:
0xce: {  	_ =	swait.ge [sflag:s16], $0x400;
	(pc) =	sbr.rel @p0 .LBB2_9-.Ltmp3, $4  }
0xcf: {  	[sflag:s16] =	ssyncset.done $0x0  }
0xd0: {  	[sflag:s16] =	ssyncadd.s32 $0xFFFFFC00  }
0xd1: {  	s1 =	sadd.s32 $0x400, s1;
	_ =	swait.ge [sflag:s16], $0x400  }
0xd2: {  	s2 =	sshra.s32 s5, $0x2;
	s3 =	smov.u32 s7;
	[sflag:s16] =	ssyncset.done $0x0  }
0xd3: {  	s3 =	sadd.s32 $0x7880, s2;
	[sflag:s16] =	ssyncadd.s32 $0xFFFFFC00  }
0xd4: {  	[tilespmem:s1], [sflag:$0x1] =	stream.indirect.gather [hbm4b:s14+s17], $0x8, s3, s17, $0xb8;
	[tilespmem:$0x1D080] =	vst v63  }
0xd5: {  	s22 =	sadd.s32 $0x4000, s1;
	s4 =	sadd.s32 $0x8080, s2  }
0xd6: {  	[tilespmem:s22], [sflag:$0x1] =	stream.indirect.gather [hbm4b:s14+s17], $0x8, s4, s17, $0xb8;
	[tilespmem:$0x1D080] =	vst v63  }
0xd7: {  	s23 =	sadd.s32 $0x8000, s1;
	s28 =	sadd.s32 $0x8880, s2  }
0xd8: {  	[tilespmem:s23], [sflag:$0x1] =	stream.indirect.gather [hbm4b:s14+s17], $0x8, s28, s17, $0xb8;
	[tilespmem:$0x1D080] =	vst v63  }
0xd9: {  	s29 =	sadd.s32 $0xC000, s1;
	s30 =	sadd.s32 $0x9080, s2  }
0xda: {  	[tilespmem:s29], [sflag:$0x1] =	stream.indirect.gather [hbm4b:s14+s17], $0x8, s30, s17, $0xb8;
	[tilespmem:$0x1D080] =	vst v63  }
0xdb: {  	_ =	swait.ge [sflag:s16], $0x400  }
0xdc: {  	[sflag:s16] =	ssyncset.done $0x0  }
0xdd: {  	[sflag:s16] =	ssyncadd.s32 $0xFFFFFC00  }
0xde: {  	_ =	swait.ge [sflag:s16], $0x400  }
0xdf: {  	[sflag:s16] =	ssyncset.done $0x0  }
0xe0: {  	[sflag:s16] =	ssyncadd.s32 $0xFFFFFC00  }
0xe1: {  	_ =	swait.ge [sflag:s16], $0x400  }
0xe2: {  	[sflag:s16] =	ssyncset.done $0x0  }
0xe3: {  	[sflag:s16] =	ssyncadd.s32 $0xFFFFFC00  }
0xe4: {  	_ =	swait.ge [sflag:s16], $0x400  }
0xe5: {  	[sflag:s16] =	ssyncset.done $0x0  }
0xe6: {  	s31 =	simm.s32 $0xC080;
	[sflag:s16] =	ssyncadd.s32 $0xFFFFFC00  }
0xe7: {  	v15 =	vld [tilespmem:s31+$0x0];
	_ =	sdelay $0x2  }
0xe8: {  	v16 =	vmov s0  }
0xe9: {  	v16 =	vshll.u32 v16, $0x3  }
0xea: {  	v16 =	vor.u32 v14, v16;
	v17 =	vand.u32 $0xFFFFFFF8, v15  }
0xeb: {  	v18 =	vand.u32 $0x7, v15;
	v15 =	vadd.s32 $0x1, v15;
	v17 =	vadd.s32 v16, v17  }
0xec: {  	v56 =	vand.u32 $0xFFFFFFF8, v15;
	v17 =	vor.u32 v18, v17  }
0xed: {  	v15 =	vand.u32 $0x7, v15;
	v16 =	vadd.s32 v16, v56  }
0xee: {  	v15 =	vor.u32 v15, v16  }
0xef: {  	s0 =	simm.s32 $0xA880  }
0xf0: {  	v16 =	vld [tilespmem:s0+$0x1000]  }
0xf1: {  	v57 =	vld.idx.msk [tilespmem:v17+s21+$0x0], $0xffff  }
0xf2: {  	v19 =	vld.idx.msk [tilespmem:v17+s18+$0x0], $0xffff  }
0xf3: {  	v20 =	vld.idx.msk [tilespmem:v15+s18+$0x0], $0xffff  }
0xf4: {  	v21 =	vld.idx.msk [tilespmem:v17+s19+$0x0], $0xffff  }
0xf5: {  	v22 =	vld.idx.msk [tilespmem:v15+s19+$0x0], $0xffff  }
0xf6: {  	v17 =	vld.idx.msk [tilespmem:v17+s20+$0x0], $0xffff  }
0xf7: {  	v23 =	vld.idx.msk [tilespmem:v15+s20+$0x0], $0xffff  }
0xf8: {  	v15 =	vld.idx.msk [tilespmem:v15+s21+$0x0], $0xffff;
	v20 =	vsub.f32 v20, v19  }
0xf9: {  	v24 =	vld [tilespmem:s0+$0xFFFFF000]  }
0xfa: {  	v22 =	vsub.f32 v22, v21;
	v20 =	vmul.f32 v20, v16  }
0xfb: {  	v25 =	vld [tilespmem:s0+$0xFFFFF800]  }
0xfc: {  	v59 =	vsub.f32 v23, v17;
	v58 =	vmul.f32 v22, v16;
	v19 =	vadd.f32 v20, v19  }
0xfd: {  	v60 =	vld [tilespmem:s0+$0x0];
	v15 =	vsub.f32 v15, v57  }
0xfe: {  	v61 =	vmul.f32 v59, v16;
	v20 =	vadd.f32 v58, v21;
	v19 =	vmul.f32 v19, v24  }
0xff: {  	v62 =	vld [tilespmem:s0+$0x800];
	v15 =	vmul.f32 v15, v16  }
0x100: {  	v17 =	vadd.f32 v61, v17;
	v63 =	vmul.f32 v20, v25;
	v16 =	vadd.f32 $0.0e+00, v19;
	_ =	sdelay $0x1  }
0x101: {  	v15 =	vadd.f32 v15, v57;
	v17 =	vmul.f32 v17, v60;
	v16 =	vadd.f32 v63, v16;
	_ =	sdelay $0x1  }
0x102: {  	v15 =	vmul.f32 v15, v62;
	v16 =	vadd.f32 v17, v16;
	_ =	sdelay $0x1  }
0x103: {  	v15 =	vadd.f32 v15, v16  }
0x104: {  	s1 =	simm.s32 $0x1C880  }
0x105: {  	s2 =	simm.s32 $0xC090;
	[tilespmem:s1+$0x0] =	vst v15  }
0x106: {  	v15 =	vld [tilespmem:s2+$0x0]  }
0x107: {  	s3 =	simm.s32 $0x10;
	s4 =	simm.s32 $0x20  }
.LBB2_11:
0x108: {  	p0 =	sne.s32 s4, $0x7F0  }
0x109: {  	v16 =	vmov s3;
	s3 =	smov.u32 s4  }
0x10a: {  	v16 =	vshll.u32 v16, $0x3  }
0x10b: {  	v16 =	vor.u32 v14, v16;
	v17 =	vand.u32 $0xFFFFFFF8, v15  }
0x10c: {  	v18 =	vand.u32 $0x7, v15;
	v15 =	vadd.s32 $0x1, v15;
	v17 =	vadd.s32 v16, v17  }
0x10d: {  	v17 =	vor.u32 v18, v17;
	v18 =	vand.u32 $0xFFFFFFF8, v15  }
0x10e: {  	v15 =	vand.u32 $0x7, v15;
	v16 =	vadd.s32 v16, v18  }
0x10f: {  	v15 =	vor.u32 v15, v16  }
0x110: {  	s0 =	sadd.s32 $0x10, s0  }
0x111: {  	v16 =	vld [tilespmem:s0+$0x1000]  }
0x112: {  	v18 =	vld.idx.msk [tilespmem:v17+s21+$0x0], $0xffff  }
0x113: {  	v19 =	vld.idx.msk [tilespmem:v17+s18+$0x0], $0xffff  }
0x114: {  	v20 =	vld.idx.msk [tilespmem:v15+s18+$0x0], $0xffff  }
0x115: {  	v21 =	vld.idx.msk [tilespmem:v17+s19+$0x0], $0xffff  }
0x116: {  	v22 =	vld.idx.msk [tilespmem:v15+s19+$0x0], $0xffff  }
0x117: {  	v17 =	vld.idx.msk [tilespmem:v17+s20+$0x0], $0xffff  }
0x118: {  	v23 =	vld.idx.msk [tilespmem:v15+s20+$0x0], $0xffff  }
0x119: {  	v15 =	vld.idx.msk [tilespmem:v15+s21+$0x0], $0xffff  }
0x11a: {  	v20 =	vsub.f32 v20, v19  }
0x11b: {  	v24 =	vld [tilespmem:s0+$0xFFFFF000]  }
0x11c: {  	v20 =	vmul.f32 v20, v16;
	v22 =	vsub.f32 v22, v21  }
0x11d: {  	v25 =	vld [tilespmem:s0+$0xFFFFF800]  }
0x11e: {  	v19 =	vadd.f32 v20, v19;
	v20 =	vmul.f32 v22, v16;
	v22 =	vsub.f32 v23, v17  }
0x11f: {  	v15 =	vsub.f32 v15, v18;
	v23 =	vld [tilespmem:s0+$0x0]  }
0x120: {  	v20 =	vadd.f32 v20, v21;
	v21 =	vmul.f32 v22, v16;
	v19 =	vmul.f32 v19, v24  }
0x121: {  	v15 =	vmul.f32 v15, v16;
	v22 =	vld [tilespmem:s0+$0x800]  }
0x122: {  	v17 =	vadd.f32 v21, v17;
	v16 =	vadd.f32 $0.0e+00, v19;
	v19 =	vmul.f32 v20, v25;
	_ =	sdelay $0x1  }
0x123: {  	v15 =	vadd.f32 v15, v18;
	v16 =	vadd.f32 v19, v16;
	v17 =	vmul.f32 v17, v23;
	_ =	sdelay $0x1  }
0x124: {  	v16 =	vadd.f32 v17, v16;
	v15 =	vmul.f32 v15, v22;
	_ =	sdelay $0x1  }
.Ltmp4:
0x125: {  	v15 =	vadd.f32 v15, v16;
	(pc) =	sbr.rel @p0 .LBB2_11-.Ltmp4, $4  }
0x126: {  	s1 =	sadd.s32 $0x10, s1  }
0x127: {  	s2 =	sadd.s32 $0x10, s2;
	[tilespmem:s1+$0x0] =	vst v15  }
0x128: {  	v15 =	vld [tilespmem:s2+$0x0]  }
0x129: {  	s4 =	sadd.s32 $0x10, s4  }
0x12a: {  	_ = 	snop  }
0x12b: {  	v16 =	vmov s3  }
0x12c: {  	v16 =	vshll.u32 v16, $0x3  }
0x12d: {  	v16 =	vor.u32 v14, v16;
	v17 =	vand.u32 $0xFFFFFFF8, v15  }
0x12e: {  	v18 =	vand.u32 $0x7, v15;
	v15 =	vadd.s32 $0x1, v15;
	v17 =	vadd.s32 v16, v17  }
0x12f: {  	v54 =	vand.u32 $0xFFFFFFF8, v15;
	v17 =	vor.u32 v18, v17  }
0x130: {  	v15 =	vand.u32 $0x7, v15;
	v16 =	vadd.s32 v16, v54  }
0x131: {  	v15 =	vor.u32 v15, v16  }
0x132: {  	s0 =	sadd.s32 $0x10, s0  }
0x133: {  	v55 =	vld [tilespmem:s0+$0x1000]  }
0x134: {  	v56 =	vld.idx.msk [tilespmem:v17+s21+$0x0], $0xffff  }
0x135: {  	v19 =	vld.idx.msk [tilespmem:v17+s18+$0x0], $0xffff  }
0x136: {  	v20 =	vld.idx.msk [tilespmem:v15+s18+$0x0], $0xffff  }
0x137: {  	v21 =	vld.idx.msk [tilespmem:v17+s19+$0x0], $0xffff  }
0x138: {  	v22 =	vld.idx.msk [tilespmem:v15+s19+$0x0], $0xffff  }
0x139: {  	v17 =	vld.idx.msk [tilespmem:v17+s20+$0x0], $0xffff  }
0x13a: {  	v23 =	vld.idx.msk [tilespmem:v15+s20+$0x0], $0xffff  }
0x13b: {  	v15 =	vld.idx.msk [tilespmem:v15+s21+$0x0], $0xffff;
	v20 =	vsub.f32 v20, v19  }
0x13c: {  	v24 =	vld [tilespmem:s0+$0xFFFFF000]  }
0x13d: {  	v22 =	vsub.f32 v22, v21;
	v20 =	vmul.f32 v20, v55  }
0x13e: {  	v25 =	vld [tilespmem:s0+$0xFFFFF800]  }
0x13f: {  	v58 =	vsub.f32 v23, v17;
	v57 =	vmul.f32 v22, v55;
	v19 =	vadd.f32 v20, v19  }
0x140: {  	v59 =	vld [tilespmem:s0+$0x0];
	v15 =	vsub.f32 v15, v56  }
0x141: {  	v60 =	vmul.f32 v58, v55;
	v20 =	vadd.f32 v57, v21;
	v19 =	vmul.f32 v19, v24  }
0x142: {  	v61 =	vld [tilespmem:s0+$0x800];
	v15 =	vmul.f32 v15, v55  }
0x143: {  	v17 =	vadd.f32 v60, v17;
	v63 =	vmul.f32 v20, v25;
	v62 =	vadd.f32 $0.0e+00, v19;
	_ =	sdelay $0x1  }
0x144: {  	v15 =	vadd.f32 v15, v56;
	v17 =	vmul.f32 v17, v59;
	v16 =	vadd.f32 v63, v62;
	_ =	sdelay $0x1  }
0x145: {  	v15 =	vmul.f32 v15, v61;
	v16 =	vadd.f32 v17, v16;
	_ =	sdelay $0x1  }
0x146: {  	s28 =	sadd.s32 $0x10, s1;
	s25 =	sadd.s32 $0x1, s25;
	v15 =	vadd.f32 v15, v16  }
0x147: {  	s29 =	sshrl.u32 s26, $0x3;
	s30 =	rddreg [dreg:$0x2];
	p0 =	sne.s32 s25, $0x40  }
.Ltmp5:
0x148: {  	s31 =	simm.s32 $0x1C880;
	s0 =	sadd.s32 s30, s29;
	[tilespmem:s28+$0x0] =	vst v15;
	(pc) =	sbr.rel @p0 .LBB2_6-.Ltmp5, $4  }
0x149: {  	[hbm4b:s0+s6] =	stream.linear.scatter [tilespmem:s31], [sflag:$0x2], $0x800, $0x38;
	[tilespmem:$0x1D080] =	vst v63  }
0x14a: {  	_ =	swait.ge [sflag:s11], $0x800  }
0x14b: {  	[sflag:s11] =	ssyncset.done $0x0  }
0x14c: {  	[sflag:s11] =	ssyncadd.s32 $0xFFFFF800  }
0x14d: {  	s1 =	rddreg [dreg:$0xa]  }
0x14e: {  	s0 =	rddreg [dreg:$0x9];
	s1 =	sadd.s32 $0x1, s1  }
0x14f: {  	p0 =	sne.s32 s1, s0  }
.Ltmp6:
0x150: {  	_ = 	snop;
	(pc) =	sbr.rel @p0 .LBB2_1-.Ltmp6, $4  }
0x151: {  	s5 =	rddreg [dreg:$0x5]  }
0x152: {  	s7 =	rddreg [dreg:$0x0]  }
0x153: {  	s8 =	rddreg [dreg:$0x3]  }
0x154: {  	s9 =	rddreg [dreg:$0x7];
	s10 =	simm.s32 $0x2000  }
0x155: {  	_ =	sfence.sel $0x180000  }
0x156: {  	[bflag:$0x0] =	sbarrier.arrive $0xFFFF  }
0x157: {  	_ =	strace $0x90000047  }
0x158: {  	s0 =	stileid.u32;
	[bflag:$0x2] =	sbarrier.arrive $0xFFFF  }
0x159: {  	p0 =	sne.s32 s0, $0x0;
	s0 =	rddreg [dreg:$0x4]  }
0x15a: {  	s0 =	sadd.s32 @!p0 $0x100000, s0  }
0x15b: {  	[sflag:s0] =	ssyncadd.tile.s32 @!p0 $0x1;
	_ =	shalt  }
.Lfunc_end2:
_tile_overlayer_lowered:
.L_overlay_start_2:
0x15c: {  	(tag) =	ssettag $0x2  }
0x15d: {  	s0 =	rddreg [dreg:$0x0];
	s2 =	stileid.u32  }
0x15e: {  	s1 =	rddreg [dreg:$0x1];
	p0 =	sne.s32 s2, $0x0  }
0x15f: {  	s3 =	rddreg [dreg:$0x2];
	[bflag:$0x3] =	sbarrier.arrive $0xFFFF;
	s2 =	simm.s32 @!p0 $0x1C02  }
0x160: {  	[timem:s3], [sflag:s2] =	dma.local @!p0 [hbm:s0], s1  }
0x161: {  	s0 =	simm.s32 @!p0 $0x2  }
0x162: {  	_ =	swait.ge @!p0 [sflag:s0], s1  }
0x163: {  	s1 =	ssub.s32 @!p0 $0x0, s1;
	[sflag:s0] =	ssyncset.done @!p0 $0x0  }
0x164: {  	[sflag:s0] =	ssyncadd.s32 @!p0 s1  }
0x165: {  	[bflag:$0x3] =	sbarrier.arrive $0xFFFF  }
0x166: {  	_ =	shalt  }

</sc_bundles>
